<compile_context>
chip_gen: v7x
topology: tpu7x:2x2x1
jax: 0.10.2.dev20260603
libtpu: 0.0.44.dev20260713+nightly
codegen_flags: <defaults>
</compile_context>

<pallas_src>
import functools

import jax
import jax.numpy as jnp
from jax import lax
from jax.experimental import pallas as pl
from jax.experimental.pallas import tpu as pltpu
from jax.experimental.pallas import tpu_sc as plsc

G = 2
NUMQ = 2
K = 8192
D = 256
M = 2048
KBLK = 1024
NKB = K // KBLK


def _layer_step(xs_ref, xd_ref, cb_ref, kb, idx_ref, accv, acckb, xnb, rbuf):

    @pl.when(kb == 0)
    def _():
        if xd_ref is None:
            r = xs_ref[...]
        else:
            r = xs_ref[...] + 2.0 * xd_ref[0]
        rbuf[...] = r
        xn = jnp.sum(r * r, axis=1) * 0.25
        xnb[...] = jnp.broadcast_to(xn[:, None], (M, KBLK))

    cb = cb_ref[0, 0]
    cn = jnp.sum(cb * cb, axis=1)
    d = lax.dot_general(rbuf[...], cb, (((1,), (1,)), ((), ())),
                        preferred_element_type=jnp.float32)
    s = (xnb[...] + d) + cn[None, :]

    @pl.when(kb == 0)
    def _():
        accv[...] = s
        acckb[...] = jnp.zeros((M, KBLK), jnp.int8)

    @pl.when(kb > 0)
    def _():
        prev = accv[...]
        upd = s < prev
        accv[...] = jnp.minimum(s, prev)
        acckb[...] = jnp.where(upd, jnp.full((M, KBLK), kb, jnp.int8),
                               acckb[...])

    @pl.when(kb == NKB - 1)
    def _():
        av = accv[...]
        m = jnp.min(av, axis=1)
        jcol = lax.broadcasted_iota(jnp.int32, (M, KBLK), 1)
        gidx = acckb[...].astype(jnp.int32) * KBLK + jcol
        cand = jnp.where(av == m[:, None], gidx, K)
        idx_ref[0] = jnp.min(cand, axis=1)[None]


def _layer1_body(x_ref, cb_ref, idx_ref, accv, acckb, xnb, rbuf):
    _layer_step(x_ref, None, cb_ref, pl.program_id(1), idx_ref, accv, acckb,
                xnb, rbuf)


def _layer2_body(x_ref, xd_ref, cb_ref, idx_ref, accv, acckb, xnb, rbuf):
    _layer_step(x_ref, xd_ref, cb_ref, pl.program_id(1), idx_ref, accv,
                acckb, xnb, rbuf)


def _finalize_body(x_ref, xd0_ref, xd1_ref, cnt_ref, q_ref, cp_ref, perp_ref):
    xf = x_ref[...]
    a = xd0_ref[0]
    b = xd1_ref[0]
    q_ref[...] = a + b
    r0 = xf - a
    c0 = jnp.sum((r0 * r0).reshape(1, M * D), axis=1, keepdims=True)
    e = r0 - b
    c1 = jnp.sum((e * e).reshape(1, M * D), axis=1, keepdims=True)
    cp_ref[0] = (c0 + c1) * (1.0 / (M * D))
    prob = cnt_ref[0] * (1.0 / M)
    h = jnp.sum(prob * jnp.log(prob + 1e-07), axis=1, keepdims=True)
    perp_ref[0] = jnp.exp(-h)


_x_spec = pl.BlockSpec((1, M, D), lambda g, kb: (g, 0, 0))
_xcol_spec = pl.BlockSpec((M, D), lambda g, kb: (0, g))
def _cb_spec(q):
    return pl.BlockSpec((1, 1, KBLK, D), lambda g, kb: (g, q, kb, 0))
_idx_spec = pl.BlockSpec((1, 1, M), lambda g, kb: (g, 0, 0))


def _run_layer1(xf, cbs):
    return pl.pallas_call(
        _layer1_body,
        grid=(G, NKB),
        in_specs=[_xcol_spec, _cb_spec(0)],
        out_specs=[_idx_spec],
        out_shape=[jax.ShapeDtypeStruct((G, 1, M), jnp.int32)],
        scratch_shapes=[pltpu.VMEM((M, KBLK), jnp.float32),
                        pltpu.VMEM((M, KBLK), jnp.int8),
                        pltpu.VMEM((M, KBLK), jnp.float32),
                        pltpu.VMEM((M, D), jnp.float32)],
        compiler_params=pltpu.CompilerParams(
            vmem_limit_bytes=100 * 1024 * 1024),
    )(xf, cbs)[0]


def _run_layer2(xf, xd0, cbs):
    return pl.pallas_call(
        _layer2_body,
        grid=(G, NKB),
        in_specs=[_xcol_spec, _x_spec, _cb_spec(1)],
        out_specs=[_idx_spec],
        out_shape=[jax.ShapeDtypeStruct((G, 1, M), jnp.int32)],
        scratch_shapes=[pltpu.VMEM((M, KBLK), jnp.float32),
                        pltpu.VMEM((M, KBLK), jnp.int8),
                        pltpu.VMEM((M, KBLK), jnp.float32),
                        pltpu.VMEM((M, D), jnp.float32)],
        compiler_params=pltpu.CompilerParams(
            vmem_limit_bytes=100 * 1024 * 1024),
    )(xf, xd0, cbs)[0]


def _run_finalize(xt, xd0, xd1, counts):
    s_x = pl.BlockSpec((1, M, D), lambda g: (g, 0, 0))
    s_xc = pl.BlockSpec((M, D), lambda g: (0, g))
    s_s = pl.BlockSpec((1, 1, 1), lambda g: (g, 0, 0))
    s_c = pl.BlockSpec((1, 1, K), lambda g: (g, 0, 0))
    return pl.pallas_call(
        _finalize_body,
        grid=(G,),
        in_specs=[s_xc, s_x, s_x, s_c],
        out_specs=[s_xc, s_s, s_s],
        out_shape=[jax.ShapeDtypeStruct((M, G * D), jnp.float32),
                   jax.ShapeDtypeStruct((G, 1, 1), jnp.float32),
                   jax.ShapeDtypeStruct((G, 1, 1), jnp.float32)],
    )(xt, xd0, xd1, counts)


_NC, _NS = 2, 16
_RPW = (G * M) // (_NC * _NS)
_CPW = K // _NS


def _sc_gather(cb_flat, gidx_flat):
    mesh = plsc.VectorSubcoreMesh(core_axis_name="c", subcore_axis_name="s")

    @functools.partial(
        pl.kernel, mesh=mesh,
        out_type=jax.ShapeDtypeStruct((G * M, D), jnp.float32),
        scratch_types=[pltpu.VMEM((_RPW,), jnp.int32),
                       pltpu.VMEM((_RPW, D), jnp.float32),
                       pltpu.SemaphoreType.DMA])
    def k(cb_hbm, gidx_hbm, out_hbm, idx_v, rows_v, sem):
        c = lax.axis_index("c")
        s = lax.axis_index("s")
        base = c * M + s * _RPW
        pltpu.sync_copy(gidx_hbm.at[pl.ds(base, _RPW)], idx_v)
        pltpu.async_copy(cb_hbm.at[idx_v], rows_v, sem).wait()
        pltpu.sync_copy(rows_v, out_hbm.at[pl.ds(base, _RPW)])

    return k(cb_flat, gidx_flat)


def _sc_counts(lidx_flat, ones, zeros):
    mesh = plsc.VectorSubcoreMesh(core_axis_name="c", subcore_axis_name="s")

    @functools.partial(
        pl.kernel, mesh=mesh,
        out_type=jax.ShapeDtypeStruct((G * K,), jnp.float32),
        scratch_types=[pltpu.VMEM((_RPW,), jnp.int32),
                       pltpu.VMEM((_RPW,), jnp.float32),
                       pltpu.VMEM_SHARED((K,), jnp.float32)])
    def k(lidx_hbm, ones_hbm, zeros_hbm, cnt_hbm, lidx_v, ones_v, shared):
        c = lax.axis_index("c")
        s = lax.axis_index("s")
        base = c * M + s * _RPW
        pltpu.sync_copy(lidx_hbm.at[pl.ds(base, _RPW)], lidx_v)
        pltpu.sync_copy(ones_hbm.at[pl.ds(base, _RPW)], ones_v)
        pltpu.sync_copy(zeros_hbm.at[pl.ds(s * _CPW, _CPW)],
                        shared.at[pl.ds(s * _CPW, _CPW)])
        plsc.subcore_barrier()
        pltpu.sync_copy(ones_v, shared.at[lidx_v], add=True)
        plsc.subcore_barrier()
        pltpu.sync_copy(shared.at[pl.ds(s * _CPW, _CPW)],
                        cnt_hbm.at[pl.ds(c * K + s * _CPW, _CPW)])

    return k(lidx_flat, ones, zeros)


def kernel(x, codebooks):
    xt = jnp.transpose(x, (0, 2, 1)).reshape(M, G * D)
    cb_flat = codebooks.reshape(G * NUMQ * K, D)

    goff0 = (jnp.arange(G, dtype=jnp.int32) * NUMQ * K)[:, None]
    ones = jnp.ones((G * M,), jnp.float32)
    zeros = jnp.zeros((K,), jnp.float32)

    xs = -2.0 * xt
    idx0 = _run_layer1(xs, codebooks)
    counts = _sc_counts(idx0.reshape(G * M), ones, zeros)
    xd0 = _sc_gather(cb_flat,
                     (idx0.reshape(G, M) + goff0).reshape(G * M)
                     ).reshape(G, M, D)
    idx1 = _run_layer2(xs, xd0, codebooks)
    xd1 = _sc_gather(cb_flat,
                     (idx1.reshape(G, M) + goff0 + K).reshape(G * M)
                     ).reshape(G, M, D)
    q, cp, perp = _run_finalize(xt, xd0, xd1, counts.reshape(G, 1, K))

    quantized = jnp.transpose(q.reshape(4, 512, G * D), (0, 2, 1))
    commit_total = cp[0, 0, 0] + cp[1, 0, 0]
    return quantized, commit_total, perp.reshape(G), idx0.reshape(G, M)

# --- scband reference (transcript-rebuilt; emitter-appended) ---
"""Pipeline reference for scband-multi-group-quantizer-11098195493291 (READ-ONLY COPY).

The authoritative reference and input builder live on the scoring server;
editing this copy changes nothing except your own understanding.
"""

import jax, jax.numpy as jnp
import numpy as np

NUM_GROUPS = 2
NUM_QUANT = 2
NB_CODE = 8192
CODE_DIM = 256


def setup_inputs(seed: int = 0) -> dict:
    key = jax.random.key(seed)
    k1, k2 = jax.random.split(key)
    x = jax.random.normal(k1, (4, NUM_GROUPS * CODE_DIM, 512), dtype=jnp.float32)
    codebooks = jax.random.normal(k2, (NUM_GROUPS, NUM_QUANT, NB_CODE, CODE_DIM), dtype=jnp.float32)
    return {"x": x, "codebooks": codebooks}


def _quantize(xf, codebook):
    # xf: [M, d], codebook: [K, d]
    dist = (jnp.sum(xf ** 2, axis=-1, keepdims=True)
            - 2.0 * (xf @ codebook.T)
            + jnp.sum(codebook ** 2, axis=-1)[None, :])
    code_idx = jnp.argmin(dist, axis=-1)
    return code_idx, dist


def _layer_forward(x, codebook):
    # QuantizeEMAReset.forward (eval mode, transition=False)
    N, width, T = x.shape
    xf = jnp.transpose(x, (0, 2, 1)).reshape(-1, width)  # preprocess
    code_idx, _ = _quantize(xf, codebook)
    x_d = jnp.take(codebook, code_idx, axis=0)  # dequantize (embedding gather)
    # compute_perplexity (eval path): scatter-add one-hot counts
    counts = jnp.zeros((codebook.shape[0],), dtype=jnp.float32).at[code_idx].add(1.0)
    prob = counts / jnp.sum(counts)
    perplexity = jnp.exp(-jnp.sum(prob * jnp.log(prob + 1e-07)))
    commitment = jnp.mean((xf - jax.lax.stop_gradient(x_d)) ** 2)
    x_d = xf + jax.lax.stop_gradient(x_d - xf)  # straight-through
    x_d = jnp.transpose(x_d.reshape(N, T, width), (0, 2, 1))
    return x_d, commitment, perplexity, code_idx


def _rvq_forward(x, codebooks_g):
    # ResidualVQ.forward over NUM_QUANT layers
    quantized_out = jnp.zeros_like(x)
    residual = x
    commit_total = 0.0
    first_perp = None
    first_idx = None
    for q in range(codebooks_g.shape[0]):
        x_d, commit, perp, idx = _layer_forward(residual, codebooks_g[q])
        residual = residual - jax.lax.stop_gradient(x_d)
        quantized_out = quantized_out + x_d
        commit_total = commit_total + commit
        if first_perp is None:
            first_perp = perp
            first_idx = idx
    return quantized_out, commit_total, first_perp, first_idx


def reference(x, codebooks):
    # MultiGroupQuantizer: split channels into groups, one ResidualVQ per group,
    # concat quantized outputs along channel dim, sum losses.
    xs = jnp.split(x, NUM_GROUPS, axis=1)
    outs = []
    commit_total = 0.0
    perps = []
    idxs = []
    for g in range(NUM_GROUPS):
        qo, commit, perp, idx = _rvq_forward(xs[g], codebooks[g])
        outs.append(qo)
        commit_total = commit_total + commit
        perps.append(perp)
        idxs.append(idx)
    quantized_out = jnp.concatenate(outs, axis=1)
    return quantized_out, commit_total, jnp.stack(perps), jnp.stack(idxs)

if __name__ == "__main__":
    import jax
    _d = setup_inputs()
    print(jax.jit(kernel)(*tuple(_d.values())))

</pallas_src>

<mosaic_0001>
#map = affine_map<(d0, d1) -> (0)>
module attributes {stable_mosaic.version = 14 : i64} {
  func.func @k(%arg0: i32, %arg1: i32, %arg2: memref<4096xi32, #tpu.memory_space<hbm>>, %arg3: memref<4096xf32, #tpu.memory_space<hbm>>, %arg4: memref<8192xf32, #tpu.memory_space<hbm>>, %arg5: memref<16384xf32, #tpu.memory_space<hbm>>, %arg6: memref<128xi32, #tpu.memory_space<vmem>>, %arg7: memref<128xf32, #tpu.memory_space<vmem>>, %arg8: memref<8192xf32, #tpu.memory_space<vmem_shared>>) attributes {dimension_semantics = [#tpu.dimension_semantics<core_parallel>, #tpu.dimension_semantics<subcore_parallel>], iteration_bounds = array<i64: 2, 16>, scalar_prefetch = 0 : i64, scratch_operands = 3 : i64, tpu.core_type = #tpu.core_type<sc_vector_subcore>, window_params = [{transform_indices = #map}, {transform_indices = #map}, {transform_indices = #map}, {transform_indices = #map}]} {
    %mul3A = arith.constant 2048 : i32
    %mul3A_0 = arith.muli %arg0, %mul3A : i32
    %mul3A_1 = arith.constant 128 : i32
    %mul3A_2 = arith.muli %arg1, %mul3A_1 : i32
    %add3A = arith.addi %mul3A_0, %mul3A_2 : i32
    "tpu.region"() ({
      %run_scoped3A = tpu.sem_alloc : memref<!tpu.dma_semaphore, #tpu.memory_space<semaphore_mem>>
      %dma_start3A = tpu.memref_slice %arg2[%add3A] : memref<4096xi32, #tpu.memory_space<hbm>> -> memref<128xi32, #tpu.memory_space<hbm>>
      %dma_start3A_15 = tpu.memref_slice %arg2[%add3A] : memref<4096xi32, #tpu.memory_space<hbm>> -> memref<128xi32, #tpu.memory_space<hbm>>
      tpu.enqueue_dma source(%dma_start3A_15 : memref<128xi32, #tpu.memory_space<hbm>>) target(%arg6 : memref<128xi32, #tpu.memory_space<vmem>>) target_semaphore(%run_scoped3A : memref<!tpu.dma_semaphore, #tpu.memory_space<semaphore_mem>>)
      %dma_wait3A = tpu.memref_slice %arg2[%add3A] : memref<4096xi32, #tpu.memory_space<hbm>> -> memref<128xi32, #tpu.memory_space<hbm>>
      %dma_wait3A_16 = tpu.memref_slice %arg2[%add3A] : memref<4096xi32, #tpu.memory_space<hbm>> -> memref<128xi32, #tpu.memory_space<hbm>>
      tpu.wait_dma2 semaphore(%run_scoped3A : memref<!tpu.dma_semaphore, #tpu.memory_space<semaphore_mem>>) src(%dma_wait3A_16 : memref<128xi32, #tpu.memory_space<hbm>>) dst(%arg6 : memref<128xi32, #tpu.memory_space<vmem>>)
      tpu.yield
    }) : () -> ()
    "tpu.region"() ({
      %run_scoped3A = tpu.sem_alloc : memref<!tpu.dma_semaphore, #tpu.memory_space<semaphore_mem>>
      %dma_start3A = tpu.memref_slice %arg3[%add3A] : memref<4096xf32, #tpu.memory_space<hbm>> -> memref<128xf32, #tpu.memory_space<hbm>>
      %dma_start3A_15 = tpu.memref_slice %arg3[%add3A] : memref<4096xf32, #tpu.memory_space<hbm>> -> memref<128xf32, #tpu.memory_space<hbm>>
      tpu.enqueue_dma source(%dma_start3A_15 : memref<128xf32, #tpu.memory_space<hbm>>) target(%arg7 : memref<128xf32, #tpu.memory_space<vmem>>) target_semaphore(%run_scoped3A : memref<!tpu.dma_semaphore, #tpu.memory_space<semaphore_mem>>)
      %dma_wait3A = tpu.memref_slice %arg3[%add3A] : memref<4096xf32, #tpu.memory_space<hbm>> -> memref<128xf32, #tpu.memory_space<hbm>>
      %dma_wait3A_16 = tpu.memref_slice %arg3[%add3A] : memref<4096xf32, #tpu.memory_space<hbm>> -> memref<128xf32, #tpu.memory_space<hbm>>
      tpu.wait_dma2 semaphore(%run_scoped3A : memref<!tpu.dma_semaphore, #tpu.memory_space<semaphore_mem>>) src(%dma_wait3A_16 : memref<128xf32, #tpu.memory_space<hbm>>) dst(%arg7 : memref<128xf32, #tpu.memory_space<vmem>>)
      tpu.yield
    }) : () -> ()
    %mul3A_3 = arith.constant 512 : i32
    %mul3A_4 = arith.muli %arg1, %mul3A_3 : i32
    %mul3A_5 = arith.constant 512 : i32
    %mul3A_6 = arith.muli %arg1, %mul3A_5 : i32
    "tpu.region"() ({
      %run_scoped3A = tpu.sem_alloc : memref<!tpu.dma_semaphore, #tpu.memory_space<semaphore_mem>>
      %dma_start3A = tpu.memref_slice %arg8[%mul3A_6] : memref<8192xf32, #tpu.memory_space<vmem_shared>> -> memref<512xf32, #tpu.memory_space<vmem_shared>>
      %dma_start3A_15 = tpu.memref_slice %arg4[%mul3A_4] : memref<8192xf32, #tpu.memory_space<hbm>> -> memref<512xf32, #tpu.memory_space<hbm>>
      tpu.enqueue_dma source(%dma_start3A_15 : memref<512xf32, #tpu.memory_space<hbm>>) target(%dma_start3A : memref<512xf32, #tpu.memory_space<vmem_shared>>) target_semaphore(%run_scoped3A : memref<!tpu.dma_semaphore, #tpu.memory_space<semaphore_mem>>)
      %dma_wait3A = tpu.memref_slice %arg8[%mul3A_6] : memref<8192xf32, #tpu.memory_space<vmem_shared>> -> memref<512xf32, #tpu.memory_space<vmem_shared>>
      %dma_wait3A_16 = tpu.memref_slice %arg4[%mul3A_4] : memref<8192xf32, #tpu.memory_space<hbm>> -> memref<512xf32, #tpu.memory_space<hbm>>
      tpu.wait_dma2 semaphore(%run_scoped3A : memref<!tpu.dma_semaphore, #tpu.memory_space<semaphore_mem>>) src(%dma_wait3A_16 : memref<512xf32, #tpu.memory_space<hbm>>) dst(%dma_wait3A : memref<512xf32, #tpu.memory_space<vmem_shared>>)
      tpu.yield
    }) : () -> ()
    %barrier3A = arith.constant 0 : index
    tpu.barrier barrier_id(%barrier3A)
    "tpu.region"() ({
      %run_scoped3A = tpu.sem_alloc : memref<!tpu.dma_semaphore, #tpu.memory_space<semaphore_mem>>
      %dma_start3A = arith.constant 0 : i32
      %dma_start3A_15 = tpu.memref_slice %arg8[%dma_start3A] : memref<8192xf32, #tpu.memory_space<vmem_shared>> -> memref<8192xf32, #tpu.memory_space<vmem_shared>>
      tpu.enqueue_indirect_dma source(%arg7 : memref<128xf32, #tpu.memory_space<vmem>>) target(%dma_start3A_15 : memref<8192xf32, #tpu.memory_space<vmem_shared>>) offsets(%arg6 : memref<128xi32, #tpu.memory_space<vmem>>) semaphore(%run_scoped3A : memref<!tpu.dma_semaphore, #tpu.memory_space<semaphore_mem>>) {add = true}
      %dma_wait3A = arith.constant 0 : i32
      %dma_wait3A_16 = tpu.memref_slice %arg8[%dma_wait3A] : memref<8192xf32, #tpu.memory_space<vmem_shared>> -> memref<8192xf32, #tpu.memory_space<vmem_shared>>
      tpu.wait_indirect_dma semaphore(%run_scoped3A : memref<!tpu.dma_semaphore, #tpu.memory_space<semaphore_mem>>) src(%arg7 : memref<128xf32, #tpu.memory_space<vmem>>) dst(%dma_wait3A_16 : memref<8192xf32, #tpu.memory_space<vmem_shared>>)
      tpu.yield
    }) : () -> ()
    %barrier3A_7 = arith.constant 0 : index
    tpu.barrier barrier_id(%barrier3A_7)
    %mul3A_8 = arith.constant 512 : i32
    %mul3A_9 = arith.muli %arg1, %mul3A_8 : i32
    %mul3A_10 = arith.constant 8192 : i32
    %mul3A_11 = arith.muli %arg0, %mul3A_10 : i32
    %mul3A_12 = arith.constant 512 : i32
    %mul3A_13 = arith.muli %arg1, %mul3A_12 : i32
    %add3A_14 = arith.addi %mul3A_11, %mul3A_13 : i32
    "tpu.region"() ({
      %run_scoped3A = tpu.sem_alloc : memref<!tpu.dma_semaphore, #tpu.memory_space<semaphore_mem>>
      %dma_start3A = tpu.memref_slice %arg5[%add3A_14] : memref<16384xf32, #tpu.memory_space<hbm>> -> memref<512xf32, #tpu.memory_space<hbm>>
      %dma_start3A_15 = tpu.memref_slice %arg8[%mul3A_9] : memref<8192xf32, #tpu.memory_space<vmem_shared>> -> memref<512xf32, #tpu.memory_space<vmem_shared>>
      tpu.enqueue_dma source(%dma_start3A_15 : memref<512xf32, #tpu.memory_space<vmem_shared>>) target(%dma_start3A : memref<512xf32, #tpu.memory_space<hbm>>) target_semaphore(%run_scoped3A : memref<!tpu.dma_semaphore, #tpu.memory_space<semaphore_mem>>)
      %dma_wait3A = tpu.memref_slice %arg5[%add3A_14] : memref<16384xf32, #tpu.memory_space<hbm>> -> memref<512xf32, #tpu.memory_space<hbm>>
      %dma_wait3A_16 = tpu.memref_slice %arg8[%mul3A_9] : memref<8192xf32, #tpu.memory_space<vmem_shared>> -> memref<512xf32, #tpu.memory_space<vmem_shared>>
      tpu.wait_dma2 semaphore(%run_scoped3A : memref<!tpu.dma_semaphore, #tpu.memory_space<semaphore_mem>>) src(%dma_wait3A_16 : memref<512xf32, #tpu.memory_space<vmem_shared>>) dst(%dma_wait3A : memref<512xf32, #tpu.memory_space<hbm>>)
      tpu.yield
    }) : () -> ()
    return
  }
}

#map = affine_map<(d0, d1) -> (0, 0)>
#map1 = affine_map<(d0, d1) -> (0)>
module attributes {stable_mosaic.version = 14 : i64} {
  func.func @k(%arg0: i32, %arg1: i32, %arg2: memref<32768x256xf32, #tpu.memory_space<hbm>>, %arg3: memref<4096xi32, #tpu.memory_space<hbm>>, %arg4: memref<4096x256xf32, #tpu.memory_space<hbm>>, %arg5: memref<128xi32, #tpu.memory_space<vmem>>, %arg6: memref<128x256xf32, #tpu.memory_space<vmem>>, %arg7: memref<!tpu.dma_semaphore, #tpu.memory_space<semaphore_mem>>) attributes {dimension_semantics = [#tpu.dimension_semantics<core_parallel>, #tpu.dimension_semantics<subcore_parallel>], iteration_bounds = array<i64: 2, 16>, scalar_prefetch = 0 : i64, scratch_operands = 3 : i64, tpu.core_type = #tpu.core_type<sc_vector_subcore>, window_params = [{transform_indices = #map}, {transform_indices = #map1}, {transform_indices = #map}]} {
    %mul3A = arith.constant 2048 : i32
    %mul3A_0 = arith.muli %arg0, %mul3A : i32
    %mul3A_1 = arith.constant 128 : i32
    %mul3A_2 = arith.muli %arg1, %mul3A_1 : i32
    %add3A = arith.addi %mul3A_0, %mul3A_2 : i32
    "tpu.region"() ({
      %run_scoped3A = tpu.sem_alloc : memref<!tpu.dma_semaphore, #tpu.memory_space<semaphore_mem>>
      %dma_start3A_7 = tpu.memref_slice %arg3[%add3A] : memref<4096xi32, #tpu.memory_space<hbm>> -> memref<128xi32, #tpu.memory_space<hbm>>
      %dma_start3A_8 = tpu.memref_slice %arg3[%add3A] : memref<4096xi32, #tpu.memory_space<hbm>> -> memref<128xi32, #tpu.memory_space<hbm>>
      tpu.enqueue_dma source(%dma_start3A_8 : memref<128xi32, #tpu.memory_space<hbm>>) target(%arg5 : memref<128xi32, #tpu.memory_space<vmem>>) target_semaphore(%run_scoped3A : memref<!tpu.dma_semaphore, #tpu.memory_space<semaphore_mem>>)
      %dma_wait3A_9 = tpu.memref_slice %arg3[%add3A] : memref<4096xi32, #tpu.memory_space<hbm>> -> memref<128xi32, #tpu.memory_space<hbm>>
      %dma_wait3A_10 = tpu.memref_slice %arg3[%add3A] : memref<4096xi32, #tpu.memory_space<hbm>> -> memref<128xi32, #tpu.memory_space<hbm>>
      tpu.wait_dma2 semaphore(%run_scoped3A : memref<!tpu.dma_semaphore, #tpu.memory_space<semaphore_mem>>) src(%dma_wait3A_10 : memref<128xi32, #tpu.memory_space<hbm>>) dst(%arg5 : memref<128xi32, #tpu.memory_space<vmem>>)
      tpu.yield
    }) : () -> ()
    %dma_start3A = arith.constant 0 : i32
    %dma_start3A_3 = arith.constant 0 : i32
    %dma_start3A_4 = tpu.memref_slice %arg2[%dma_start3A, %dma_start3A_3] : memref<32768x256xf32, #tpu.memory_space<hbm>> -> memref<32768x256xf32, #tpu.memory_space<hbm>>
    tpu.enqueue_indirect_dma source(%dma_start3A_4 : memref<32768x256xf32, #tpu.memory_space<hbm>>) target(%arg6 : memref<128x256xf32, #tpu.memory_space<vmem>>) offsets(%arg5 : memref<128xi32, #tpu.memory_space<vmem>>) semaphore(%arg7 : memref<!tpu.dma_semaphore, #tpu.memory_space<semaphore_mem>>)
    %dma_wait3A = arith.constant 0 : i32
    %dma_wait3A_5 = arith.constant 0 : i32
    %dma_wait3A_6 = tpu.memref_slice %arg2[%dma_wait3A, %dma_wait3A_5] : memref<32768x256xf32, #tpu.memory_space<hbm>> -> memref<32768x256xf32, #tpu.memory_space<hbm>>
    tpu.wait_indirect_dma semaphore(%arg7 : memref<!tpu.dma_semaphore, #tpu.memory_space<semaphore_mem>>) src(%dma_wait3A_6 : memref<32768x256xf32, #tpu.memory_space<hbm>>) dst(%arg6 : memref<128x256xf32, #tpu.memory_space<vmem>>)
    "tpu.region"() ({
      %run_scoped3A = tpu.sem_alloc : memref<!tpu.dma_semaphore, #tpu.memory_space<semaphore_mem>>
      %dma_start3A_7 = arith.constant 0 : i32
      %dma_start3A_8 = tpu.memref_slice %arg4[%add3A, %dma_start3A_7] : memref<4096x256xf32, #tpu.memory_space<hbm>> -> memref<128x256xf32, #tpu.memory_space<hbm>>
      %dma_start3A_9 = arith.constant 0 : i32
      %dma_start3A_10 = tpu.memref_slice %arg4[%add3A, %dma_start3A_9] : memref<4096x256xf32, #tpu.memory_space<hbm>> -> memref<128x256xf32, #tpu.memory_space<hbm>>
      tpu.enqueue_dma source(%arg6 : memref<128x256xf32, #tpu.memory_space<vmem>>) target(%dma_start3A_10 : memref<128x256xf32, #tpu.memory_space<hbm>>) target_semaphore(%run_scoped3A : memref<!tpu.dma_semaphore, #tpu.memory_space<semaphore_mem>>)
      %dma_wait3A_11 = arith.constant 0 : i32
      %dma_wait3A_12 = tpu.memref_slice %arg4[%add3A, %dma_wait3A_11] : memref<4096x256xf32, #tpu.memory_space<hbm>> -> memref<128x256xf32, #tpu.memory_space<hbm>>
      %dma_wait3A_13 = arith.constant 0 : i32
      %dma_wait3A_14 = tpu.memref_slice %arg4[%add3A, %dma_wait3A_13] : memref<4096x256xf32, #tpu.memory_space<hbm>> -> memref<128x256xf32, #tpu.memory_space<hbm>>
      tpu.wait_dma2 semaphore(%run_scoped3A : memref<!tpu.dma_semaphore, #tpu.memory_space<semaphore_mem>>) src(%arg6 : memref<128x256xf32, #tpu.memory_space<vmem>>) dst(%dma_wait3A_14 : memref<128x256xf32, #tpu.memory_space<hbm>>)
      tpu.yield
    }) : () -> ()
    return
  }
}

#map = affine_map<(d0, d1) -> (0, 0)>
#map1 = affine_map<(d0, d1) -> (0)>
module attributes {stable_mosaic.version = 14 : i64} {
  func.func @k(%arg0: i32, %arg1: i32, %arg2: memref<32768x256xf32, #tpu.memory_space<hbm>>, %arg3: memref<4096xi32, #tpu.memory_space<hbm>>, %arg4: memref<4096x256xf32, #tpu.memory_space<hbm>>, %arg5: memref<128xi32, #tpu.memory_space<vmem>>, %arg6: memref<128x256xf32, #tpu.memory_space<vmem>>, %arg7: memref<!tpu.dma_semaphore, #tpu.memory_space<semaphore_mem>>) attributes {dimension_semantics = [#tpu.dimension_semantics<core_parallel>, #tpu.dimension_semantics<subcore_parallel>], iteration_bounds = array<i64: 2, 16>, scalar_prefetch = 0 : i64, scratch_operands = 3 : i64, tpu.core_type = #tpu.core_type<sc_vector_subcore>, window_params = [{transform_indices = #map}, {transform_indices = #map1}, {transform_indices = #map}]} {
    %mul3A = arith.constant 2048 : i32
    %mul3A_0 = arith.muli %arg0, %mul3A : i32
    %mul3A_1 = arith.constant 128 : i32
    %mul3A_2 = arith.muli %arg1, %mul3A_1 : i32
    %add3A = arith.addi %mul3A_0, %mul3A_2 : i32
    "tpu.region"() ({
      %run_scoped3A = tpu.sem_alloc : memref<!tpu.dma_semaphore, #tpu.memory_space<semaphore_mem>>
      %dma_start3A_7 = tpu.memref_slice %arg3[%add3A] : memref<4096xi32, #tpu.memory_space<hbm>> -> memref<128xi32, #tpu.memory_space<hbm>>
      %dma_start3A_8 = tpu.memref_slice %arg3[%add3A] : memref<4096xi32, #tpu.memory_space<hbm>> -> memref<128xi32, #tpu.memory_space<hbm>>
      tpu.enqueue_dma source(%dma_start3A_8 : memref<128xi32, #tpu.memory_space<hbm>>) target(%arg5 : memref<128xi32, #tpu.memory_space<vmem>>) target_semaphore(%run_scoped3A : memref<!tpu.dma_semaphore, #tpu.memory_space<semaphore_mem>>)
      %dma_wait3A_9 = tpu.memref_slice %arg3[%add3A] : memref<4096xi32, #tpu.memory_space<hbm>> -> memref<128xi32, #tpu.memory_space<hbm>>
      %dma_wait3A_10 = tpu.memref_slice %arg3[%add3A] : memref<4096xi32, #tpu.memory_space<hbm>> -> memref<128xi32, #tpu.memory_space<hbm>>
      tpu.wait_dma2 semaphore(%run_scoped3A : memref<!tpu.dma_semaphore, #tpu.memory_space<semaphore_mem>>) src(%dma_wait3A_10 : memref<128xi32, #tpu.memory_space<hbm>>) dst(%arg5 : memref<128xi32, #tpu.memory_space<vmem>>)
      tpu.yield
    }) : () -> ()
    %dma_start3A = arith.constant 0 : i32
    %dma_start3A_3 = arith.constant 0 : i32
    %dma_start3A_4 = tpu.memref_slice %arg2[%dma_start3A, %dma_start3A_3] : memref<32768x256xf32, #tpu.memory_space<hbm>> -> memref<32768x256xf32, #tpu.memory_space<hbm>>
    tpu.enqueue_indirect_dma source(%dma_start3A_4 : memref<32768x256xf32, #tpu.memory_space<hbm>>) target(%arg6 : memref<128x256xf32, #tpu.memory_space<vmem>>) offsets(%arg5 : memref<128xi32, #tpu.memory_space<vmem>>) semaphore(%arg7 : memref<!tpu.dma_semaphore, #tpu.memory_space<semaphore_mem>>)
    %dma_wait3A = arith.constant 0 : i32
    %dma_wait3A_5 = arith.constant 0 : i32
    %dma_wait3A_6 = tpu.memref_slice %arg2[%dma_wait3A, %dma_wait3A_5] : memref<32768x256xf32, #tpu.memory_space<hbm>> -> memref<32768x256xf32, #tpu.memory_space<hbm>>
    tpu.wait_indirect_dma semaphore(%arg7 : memref<!tpu.dma_semaphore, #tpu.memory_space<semaphore_mem>>) src(%dma_wait3A_6 : memref<32768x256xf32, #tpu.memory_space<hbm>>) dst(%arg6 : memref<128x256xf32, #tpu.memory_space<vmem>>)
    "tpu.region"() ({
      %run_scoped3A = tpu.sem_alloc : memref<!tpu.dma_semaphore, #tpu.memory_space<semaphore_mem>>
      %dma_start3A_7 = arith.constant 0 : i32
      %dma_start3A_8 = tpu.memref_slice %arg4[%add3A, %dma_start3A_7] : memref<4096x256xf32, #tpu.memory_space<hbm>> -> memref<128x256xf32, #tpu.memory_space<hbm>>
      %dma_start3A_9 = arith.constant 0 : i32
      %dma_start3A_10 = tpu.memref_slice %arg4[%add3A, %dma_start3A_9] : memref<4096x256xf32, #tpu.memory_space<hbm>> -> memref<128x256xf32, #tpu.memory_space<hbm>>
      tpu.enqueue_dma source(%arg6 : memref<128x256xf32, #tpu.memory_space<vmem>>) target(%dma_start3A_10 : memref<128x256xf32, #tpu.memory_space<hbm>>) target_semaphore(%run_scoped3A : memref<!tpu.dma_semaphore, #tpu.memory_space<semaphore_mem>>)
      %dma_wait3A_11 = arith.constant 0 : i32
      %dma_wait3A_12 = tpu.memref_slice %arg4[%add3A, %dma_wait3A_11] : memref<4096x256xf32, #tpu.memory_space<hbm>> -> memref<128x256xf32, #tpu.memory_space<hbm>>
      %dma_wait3A_13 = arith.constant 0 : i32
      %dma_wait3A_14 = tpu.memref_slice %arg4[%add3A, %dma_wait3A_13] : memref<4096x256xf32, #tpu.memory_space<hbm>> -> memref<128x256xf32, #tpu.memory_space<hbm>>
      tpu.wait_dma2 semaphore(%run_scoped3A : memref<!tpu.dma_semaphore, #tpu.memory_space<semaphore_mem>>) src(%arg6 : memref<128x256xf32, #tpu.memory_space<vmem>>) dst(%dma_wait3A_14 : memref<128x256xf32, #tpu.memory_space<hbm>>)
      tpu.yield
    }) : () -> ()
    return
  }
}

module attributes {stable_mosaic.version = 14 : i64} {
  func.func @_layer1_body(%arg0: i32, %arg1: i32, %arg2: memref<2048x256xf32, #tpu.memory_space<vmem>>, %arg3: memref<1x1x1024x256xf32, #tpu.memory_space<vmem>>, %arg4: memref<1x1x2048xi32, #tpu.memory_space<vmem>>, %arg5: memref<2048x1024xf32, #tpu.memory_space<vmem>>, %arg6: memref<2048x1024xi8, #tpu.memory_space<vmem>>, %arg7: memref<2048x1024xf32, #tpu.memory_space<vmem>>, %arg8: memref<2048x256xf32, #tpu.memory_space<vmem>>) attributes {dimension_semantics = [#tpu.dimension_semantics<arbitrary>, #tpu.dimension_semantics<arbitrary>], iteration_bounds = array<i64: 2, 8>, scalar_prefetch = 0 : i64, scratch_operands = 4 : i64, tpu.core_type = #tpu.core_type<tc>, window_params = [{transform_indices = @transform_0, window_bounds = array<i64: 2048, 256>}, {transform_indices = @transform_1, window_bounds = array<i64: 1, 1, 1024, 256>}, {transform_indices = @transform_2, window_bounds = array<i64: 1, 1, 2048>}]} {
    %eq3A = arith.constant 0 : i32
    %eq3A_0 = arith.cmpi eq, %arg1, %eq3A : i32
    %convert_element_type3A = arith.extui %eq3A_0 : i1 to i32
    %cond3A = arith.constant 0 : i32
    %cond3A_1 = arith.cmpi ne, %convert_element_type3A, %cond3A : i32
    scf.if %cond3A_1 {
      %get3A_31 = arith.constant 0 : index
      %get3A_32 = arith.constant 0 : index
      %get3A_33 = vector.load %arg2[%get3A_31, %get3A_32] : memref<2048x256xf32, #tpu.memory_space<vmem>>, vector<2048x256xf32>
      %swap3A = arith.constant 0 : index
      %swap3A_34 = arith.constant 0 : index
      %swap3A_35 = vector.load %arg8[%swap3A, %swap3A_34] : memref<2048x256xf32, #tpu.memory_space<vmem>>, vector<2048x256xf32>
      tpu.vector_store %arg8[%swap3A, %swap3A_34], %get3A_33 {strides = array<i32>} : memref<2048x256xf32, #tpu.memory_space<vmem>>, vector<2048x256xf32>,
      %mul3A_36 = arith.mulf %get3A_33, %get3A_33 : vector<2048x256xf32>
      %reduce_sum3A_37 = arith.constant dense<0.000000e+00> : vector<2048xf32>
      %reduce_sum3A_38 = vector.multi_reduction <add>, %mul3A_36, %reduce_sum3A_37 [1] : vector<2048x256xf32> to vector<2048xf32>
      %mul3A_39 = arith.constant 2.500000e-01 : f32
      %mul3A_40 = vector.broadcast %mul3A_39 : f32 to vector<2048xf32>
      %mul3A_41 = arith.mulf %reduce_sum3A_38, %mul3A_40 : vector<2048xf32>
      %broadcast_in_dim3A_42 = vector.shape_cast %mul3A_41 : vector<2048xf32> to vector<2048x1xf32>
      %broadcast_in_dim3A_43 = vector.shape_cast %broadcast_in_dim3A_42 : vector<2048x1xf32> to vector<2048x1xf32>
      %broadcast_in_dim3A_44 = vector.broadcast %broadcast_in_dim3A_43 : vector<2048x1xf32> to vector<2048x1024xf32>
      %swap3A_45 = arith.constant 0 : index
      %swap3A_46 = arith.constant 0 : index
      %swap3A_47 = vector.load %arg7[%swap3A_45, %swap3A_46] : memref<2048x1024xf32, #tpu.memory_space<vmem>>, vector<2048x1024xf32>
      tpu.vector_store %arg7[%swap3A_45, %swap3A_46], %broadcast_in_dim3A_44 {strides = array<i32>} : memref<2048x1024xf32, #tpu.memory_space<vmem>>, vector<2048x1024xf32>,
    } else {
    }
    %get3A = arith.constant 0 : index
    %get3A_2 = arith.constant 0 : index
    %get3A_3 = arith.constant 0 : index
    %get3A_4 = arith.constant 0 : index
    %get3A_5 = vector.load %arg3[%get3A, %get3A_2, %get3A_3, %get3A_4] : memref<1x1x1024x256xf32, #tpu.memory_space<vmem>>, vector<1x1x1024x256xf32>
    %get3A_6 = vector.shape_cast %get3A_5 : vector<1x1x1024x256xf32> to vector<1024x256xf32>
    %mul3A = arith.mulf %get3A_6, %get3A_6 : vector<1024x256xf32>
    %reduce_sum3A = arith.constant dense<0.000000e+00> : vector<1024xf32>
    %reduce_sum3A_7 = vector.multi_reduction <add>, %mul3A, %reduce_sum3A [1] : vector<1024x256xf32> to vector<1024xf32>
    %get3A_8 = arith.constant 0 : index
    %get3A_9 = arith.constant 0 : index
    %get3A_10 = vector.load %arg8[%get3A_8, %get3A_9] : memref<2048x256xf32, #tpu.memory_space<vmem>>, vector<2048x256xf32>
    %dot_general3A = arith.constant dense<0.000000e+00> : vector<2048x1024xf32>
    %dot_general3A_11 = tpu.matmul %get3A_10, %get3A_6, %dot_general3A {dimension_numbers = #tpu.dot_dimension_numbers<[1], [1], [0], [0], [0, 0, 1, 0], [], []>, transpose_lhs_hint = false} : vector<2048x256xf32>, vector<1024x256xf32>, vector<2048x1024xf32> -> vector<2048x1024xf32>
    %get3A_12 = arith.constant 0 : index
    %get3A_13 = arith.constant 0 : index
    %get3A_14 = vector.load %arg7[%get3A_12, %get3A_13] : memref<2048x1024xf32, #tpu.memory_space<vmem>>, vector<2048x1024xf32>
    %add3A = arith.addf %get3A_14, %dot_general3A_11 : vector<2048x1024xf32>
    %broadcast_in_dim3A = vector.shape_cast %reduce_sum3A_7 : vector<1024xf32> to vector<1x1024xf32>
    %add3A_15 = vector.broadcast %broadcast_in_dim3A : vector<1x1024xf32> to vector<2048x1024xf32>
    %add3A_16 = arith.addf %add3A, %add3A_15 : vector<2048x1024xf32>
    %eq3A_17 = arith.constant 0 : i32
    %eq3A_18 = arith.cmpi eq, %arg1, %eq3A_17 : i32
    %convert_element_type3A_19 = arith.extui %eq3A_18 : i1 to i32
    %cond3A_20 = arith.constant 0 : i32
    %cond3A_21 = arith.cmpi ne, %convert_element_type3A_19, %cond3A_20 : i32
    scf.if %cond3A_21 {
      %swap3A = arith.constant 0 : index
      %swap3A_31 = arith.constant 0 : index
      %swap3A_32 = vector.load %arg5[%swap3A, %swap3A_31] : memref<2048x1024xf32, #tpu.memory_space<vmem>>, vector<2048x1024xf32>
      tpu.vector_store %arg5[%swap3A, %swap3A_31], %add3A_16 {strides = array<i32>} : memref<2048x1024xf32, #tpu.memory_space<vmem>>, vector<2048x1024xf32>,
      %broadcast_in_dim3A_33 = arith.constant 0 : i8
      %broadcast_in_dim3A_34 = vector.broadcast %broadcast_in_dim3A_33 : i8 to vector<2048x1024xi8>
      %swap3A_35 = arith.constant 0 : index
      %swap3A_36 = arith.constant 0 : index
      %swap3A_37 = vector.load %arg6[%swap3A_35, %swap3A_36] : memref<2048x1024xi8, #tpu.memory_space<vmem>>, vector<2048x1024xi8>
      tpu.vector_store %arg6[%swap3A_35, %swap3A_36], %broadcast_in_dim3A_34 {strides = array<i32>} : memref<2048x1024xi8, #tpu.memory_space<vmem>>, vector<2048x1024xi8>,
    } else {
    }
    %gt3A = arith.constant 0 : i32
    %gt3A_22 = arith.cmpi sgt, %arg1, %gt3A : i32
    %convert_element_type3A_23 = arith.extui %gt3A_22 : i1 to i32
    %cond3A_24 = arith.constant 0 : i32
    %cond3A_25 = arith.cmpi ne, %convert_element_type3A_23, %cond3A_24 : i32
    scf.if %cond3A_25 {
      %get3A_31 = arith.constant 0 : index
      %get3A_32 = arith.constant 0 : index
      %get3A_33 = vector.load %arg5[%get3A_31, %get3A_32] : memref<2048x1024xf32, #tpu.memory_space<vmem>>, vector<2048x1024xf32>
      %lt3A = arith.cmpf olt, %add3A_16, %get3A_33 : vector<2048x1024xf32>
      %min3A = arith.minimumf %add3A_16, %get3A_33 : vector<2048x1024xf32>
      %swap3A = arith.constant 0 : index
      %swap3A_34 = arith.constant 0 : index
      %swap3A_35 = vector.load %arg5[%swap3A, %swap3A_34] : memref<2048x1024xf32, #tpu.memory_space<vmem>>, vector<2048x1024xf32>
      tpu.vector_store %arg5[%swap3A, %swap3A_34], %min3A {strides = array<i32>} : memref<2048x1024xf32, #tpu.memory_space<vmem>>, vector<2048x1024xf32>,
      %convert_element_type3A_36 = arith.trunci %arg1 : i32 to i8
      %broadcast_in_dim3A_37 = vector.broadcast %convert_element_type3A_36 : i8 to vector<2048x1024xi8>
      %get3A_38 = arith.constant 0 : index
      %get3A_39 = arith.constant 0 : index
      %get3A_40 = vector.load %arg6[%get3A_38, %get3A_39] : memref<2048x1024xi8, #tpu.memory_space<vmem>>, vector<2048x1024xi8>
      %select_n3A = arith.select %lt3A, %broadcast_in_dim3A_37, %get3A_40 : vector<2048x1024xi1>, vector<2048x1024xi8>
      %swap3A_41 = arith.constant 0 : index
      %swap3A_42 = arith.constant 0 : index
      %swap3A_43 = vector.load %arg6[%swap3A_41, %swap3A_42] : memref<2048x1024xi8, #tpu.memory_space<vmem>>, vector<2048x1024xi8>
      tpu.vector_store %arg6[%swap3A_41, %swap3A_42], %select_n3A {strides = array<i32>} : memref<2048x1024xi8, #tpu.memory_space<vmem>>, vector<2048x1024xi8>,
    } else {
    }
    %eq3A_26 = arith.constant 7 : i32
    %eq3A_27 = arith.cmpi eq, %arg1, %eq3A_26 : i32
    %convert_element_type3A_28 = arith.extui %eq3A_27 : i1 to i32
    %cond3A_29 = arith.constant 0 : i32
    %cond3A_30 = arith.cmpi ne, %convert_element_type3A_28, %cond3A_29 : i32
    scf.if %cond3A_30 {
      %get3A_31 = arith.constant 0 : index
      %get3A_32 = arith.constant 0 : index
      %get3A_33 = vector.load %arg5[%get3A_31, %get3A_32] : memref<2048x1024xf32, #tpu.memory_space<vmem>>, vector<2048x1024xf32>
      %reduce_min3A = arith.constant dense<0x7F800000> : vector<2048xf32>
      %reduce_min3A_34 = vector.multi_reduction <minimumf>, %get3A_33, %reduce_min3A [1] : vector<2048x1024xf32> to vector<2048xf32>
      %iota3A = tpu.iota {dimensions = array<i32: 1>} : vector<2048x1024xi32>
      %get3A_35 = arith.constant 0 : index
      %get3A_36 = arith.constant 0 : index
      %get3A_37 = vector.load %arg6[%get3A_35, %get3A_36] : memref<2048x1024xi8, #tpu.memory_space<vmem>>, vector<2048x1024xi8>
      %convert_element_type3A_38 = arith.extsi %get3A_37 : vector<2048x1024xi8> to vector<2048x1024xi32>
      %mul3A_39 = arith.constant 1024 : i32
      %mul3A_40 = vector.broadcast %mul3A_39 : i32 to vector<2048x1024xi32>
      %mul3A_41 = arith.muli %convert_element_type3A_38, %mul3A_40 : vector<2048x1024xi32>
      %add3A_42 = arith.addi %mul3A_41, %iota3A : vector<2048x1024xi32>
      %broadcast_in_dim3A_43 = vector.shape_cast %reduce_min3A_34 : vector<2048xf32> to vector<2048x1xf32>
      %eq3A_44 = vector.broadcast %broadcast_in_dim3A_43 : vector<2048x1xf32> to vector<2048x1024xf32>
      %eq3A_45 = arith.cmpf oeq, %get3A_33, %eq3A_44 : vector<2048x1024xf32>
      %jit3A = arith.constant 8192 : i32
      %broadcast_in_dim3A_46 = vector.broadcast %jit3A : i32 to vector<2048x1024xi32>
      %select_n3A = arith.select %eq3A_45, %add3A_42, %broadcast_in_dim3A_46 : vector<2048x1024xi1>, vector<2048x1024xi32>
      %reduce_min3A_47 = arith.constant dense<2147483647> : vector<2048xi32>
      %reduce_min3A_48 = vector.multi_reduction <minsi>, %select_n3A, %reduce_min3A_47 [1] : vector<2048x1024xi32> to vector<2048xi32>
      %broadcast_in_dim3A_49 = vector.shape_cast %reduce_min3A_48 : vector<2048xi32> to vector<1x2048xi32>
      %swap3A = arith.constant 0 : index
      %swap3A_50 = arith.constant 0 : index
      %swap3A_51 = arith.constant 0 : index
      %swap3A_52 = vector.load %arg4[%swap3A, %swap3A_50, %swap3A_51] : memref<1x1x2048xi32, #tpu.memory_space<vmem>>, vector<1x1x2048xi32>
      %swap3A_53 = vector.shape_cast %swap3A_52 : vector<1x1x2048xi32> to vector<1x2048xi32>
      %swap3A_54 = vector.shape_cast %broadcast_in_dim3A_49 : vector<1x2048xi32> to vector<1x1x2048xi32>
      tpu.vector_store %arg4[%swap3A, %swap3A_50, %swap3A_51], %swap3A_54 {strides = array<i32>} : memref<1x1x2048xi32, #tpu.memory_space<vmem>>, vector<1x1x2048xi32>,
    } else {
    }
    return
  }
  func.func @transform_0(%arg0: i32, %arg1: i32) -> (i32, i32) {
    %c0_i32 = arith.constant 0 : i32
    %c0_i32_0 = arith.constant 0 : i32
    return %c0_i32, %arg0 : i32, i32
  }
  func.func @transform_1(%arg0: i32, %arg1: i32) -> (i32, i32, i32, i32) {
    %c0_i32 = arith.constant 0 : i32
    %c0_i32_0 = arith.constant 0 : i32
    %c0_i32_1 = arith.constant 0 : i32
    return %arg0, %c0_i32, %arg1, %c0_i32_0 : i32, i32, i32, i32
  }
  func.func @transform_2(%arg0: i32, %arg1: i32) -> (i32, i32, i32) {
    %c0_i32 = arith.constant 0 : i32
    %c0_i32_0 = arith.constant 0 : i32
    %c0_i32_1 = arith.constant 0 : i32
    return %arg0, %c0_i32, %c0_i32_0 : i32, i32, i32
  }
}

module attributes {stable_mosaic.version = 14 : i64} {
  func.func @_layer2_body(%arg0: i32, %arg1: i32, %arg2: memref<2048x256xf32, #tpu.memory_space<vmem>>, %arg3: memref<1x2048x256xf32, #tpu.memory_space<vmem>>, %arg4: memref<1x1x1024x256xf32, #tpu.memory_space<vmem>>, %arg5: memref<1x1x2048xi32, #tpu.memory_space<vmem>>, %arg6: memref<2048x1024xf32, #tpu.memory_space<vmem>>, %arg7: memref<2048x1024xi8, #tpu.memory_space<vmem>>, %arg8: memref<2048x1024xf32, #tpu.memory_space<vmem>>, %arg9: memref<2048x256xf32, #tpu.memory_space<vmem>>) attributes {dimension_semantics = [#tpu.dimension_semantics<arbitrary>, #tpu.dimension_semantics<arbitrary>], iteration_bounds = array<i64: 2, 8>, scalar_prefetch = 0 : i64, scratch_operands = 4 : i64, tpu.core_type = #tpu.core_type<tc>, window_params = [{transform_indices = @transform_0, window_bounds = array<i64: 2048, 256>}, {transform_indices = @transform_1, window_bounds = array<i64: 1, 2048, 256>}, {transform_indices = @transform_2, window_bounds = array<i64: 1, 1, 1024, 256>}, {transform_indices = @transform_3, window_bounds = array<i64: 1, 1, 2048>}]} {
    %eq3A = arith.constant 0 : i32
    %eq3A_0 = arith.cmpi eq, %arg1, %eq3A : i32
    %convert_element_type3A = arith.extui %eq3A_0 : i1 to i32
    %cond3A = arith.constant 0 : i32
    %cond3A_1 = arith.cmpi ne, %convert_element_type3A, %cond3A : i32
    scf.if %cond3A_1 {
      %get3A_31 = arith.constant 0 : index
      %get3A_32 = arith.constant 0 : index
      %get3A_33 = vector.load %arg2[%get3A_31, %get3A_32] : memref<2048x256xf32, #tpu.memory_space<vmem>>, vector<2048x256xf32>
      %get3A_34 = arith.constant 0 : index
      %get3A_35 = arith.constant 0 : index
      %get3A_36 = arith.constant 0 : index
      %get3A_37 = vector.load %arg3[%get3A_34, %get3A_35, %get3A_36] : memref<1x2048x256xf32, #tpu.memory_space<vmem>>, vector<1x2048x256xf32>
      %get3A_38 = vector.shape_cast %get3A_37 : vector<1x2048x256xf32> to vector<2048x256xf32>
      %mul3A_39 = arith.constant 2.000000e+00 : f32
      %mul3A_40 = vector.broadcast %mul3A_39 : f32 to vector<2048x256xf32>
      %mul3A_41 = arith.mulf %mul3A_40, %get3A_38 : vector<2048x256xf32>
      %add3A_42 = arith.addf %get3A_33, %mul3A_41 : vector<2048x256xf32>
      %swap3A = arith.constant 0 : index
      %swap3A_43 = arith.constant 0 : index
      %swap3A_44 = vector.load %arg9[%swap3A, %swap3A_43] : memref<2048x256xf32, #tpu.memory_space<vmem>>, vector<2048x256xf32>
      tpu.vector_store %arg9[%swap3A, %swap3A_43], %add3A_42 {strides = array<i32>} : memref<2048x256xf32, #tpu.memory_space<vmem>>, vector<2048x256xf32>,
      %mul3A_45 = arith.mulf %add3A_42, %add3A_42 : vector<2048x256xf32>
      %reduce_sum3A_46 = arith.constant dense<0.000000e+00> : vector<2048xf32>
      %reduce_sum3A_47 = vector.multi_reduction <add>, %mul3A_45, %reduce_sum3A_46 [1] : vector<2048x256xf32> to vector<2048xf32>
      %mul3A_48 = arith.constant 2.500000e-01 : f32
      %mul3A_49 = vector.broadcast %mul3A_48 : f32 to vector<2048xf32>
      %mul3A_50 = arith.mulf %reduce_sum3A_47, %mul3A_49 : vector<2048xf32>
      %broadcast_in_dim3A_51 = vector.shape_cast %mul3A_50 : vector<2048xf32> to vector<2048x1xf32>
      %broadcast_in_dim3A_52 = vector.shape_cast %broadcast_in_dim3A_51 : vector<2048x1xf32> to vector<2048x1xf32>
      %broadcast_in_dim3A_53 = vector.broadcast %broadcast_in_dim3A_52 : vector<2048x1xf32> to vector<2048x1024xf32>
      %swap3A_54 = arith.constant 0 : index
      %swap3A_55 = arith.constant 0 : index
      %swap3A_56 = vector.load %arg8[%swap3A_54, %swap3A_55] : memref<2048x1024xf32, #tpu.memory_space<vmem>>, vector<2048x1024xf32>
      tpu.vector_store %arg8[%swap3A_54, %swap3A_55], %broadcast_in_dim3A_53 {strides = array<i32>} : memref<2048x1024xf32, #tpu.memory_space<vmem>>, vector<2048x1024xf32>,
    } else {
    }
    %get3A = arith.constant 0 : index
    %get3A_2 = arith.constant 0 : index
    %get3A_3 = arith.constant 0 : index
    %get3A_4 = arith.constant 0 : index
    %get3A_5 = vector.load %arg4[%get3A, %get3A_2, %get3A_3, %get3A_4] : memref<1x1x1024x256xf32, #tpu.memory_space<vmem>>, vector<1x1x1024x256xf32>
    %get3A_6 = vector.shape_cast %get3A_5 : vector<1x1x1024x256xf32> to vector<1024x256xf32>
    %mul3A = arith.mulf %get3A_6, %get3A_6 : vector<1024x256xf32>
    %reduce_sum3A = arith.constant dense<0.000000e+00> : vector<1024xf32>
    %reduce_sum3A_7 = vector.multi_reduction <add>, %mul3A, %reduce_sum3A [1] : vector<1024x256xf32> to vector<1024xf32>
    %get3A_8 = arith.constant 0 : index
    %get3A_9 = arith.constant 0 : index
    %get3A_10 = vector.load %arg9[%get3A_8, %get3A_9] : memref<2048x256xf32, #tpu.memory_space<vmem>>, vector<2048x256xf32>
    %dot_general3A = arith.constant dense<0.000000e+00> : vector<2048x1024xf32>
    %dot_general3A_11 = tpu.matmul %get3A_10, %get3A_6, %dot_general3A {dimension_numbers = #tpu.dot_dimension_numbers<[1], [1], [0], [0], [0, 0, 1, 0], [], []>, transpose_lhs_hint = false} : vector<2048x256xf32>, vector<1024x256xf32>, vector<2048x1024xf32> -> vector<2048x1024xf32>
    %get3A_12 = arith.constant 0 : index
    %get3A_13 = arith.constant 0 : index
    %get3A_14 = vector.load %arg8[%get3A_12, %get3A_13] : memref<2048x1024xf32, #tpu.memory_space<vmem>>, vector<2048x1024xf32>
    %add3A = arith.addf %get3A_14, %dot_general3A_11 : vector<2048x1024xf32>
    %broadcast_in_dim3A = vector.shape_cast %reduce_sum3A_7 : vector<1024xf32> to vector<1x1024xf32>
    %add3A_15 = vector.broadcast %broadcast_in_dim3A : vector<1x1024xf32> to vector<2048x1024xf32>
    %add3A_16 = arith.addf %add3A, %add3A_15 : vector<2048x1024xf32>
    %eq3A_17 = arith.constant 0 : i32
    %eq3A_18 = arith.cmpi eq, %arg1, %eq3A_17 : i32
    %convert_element_type3A_19 = arith.extui %eq3A_18 : i1 to i32
    %cond3A_20 = arith.constant 0 : i32
    %cond3A_21 = arith.cmpi ne, %convert_element_type3A_19, %cond3A_20 : i32
    scf.if %cond3A_21 {
      %swap3A = arith.constant 0 : index
      %swap3A_31 = arith.constant 0 : index
      %swap3A_32 = vector.load %arg6[%swap3A, %swap3A_31] : memref<2048x1024xf32, #tpu.memory_space<vmem>>, vector<2048x1024xf32>
      tpu.vector_store %arg6[%swap3A, %swap3A_31], %add3A_16 {strides = array<i32>} : memref<2048x1024xf32, #tpu.memory_space<vmem>>, vector<2048x1024xf32>,
      %broadcast_in_dim3A_33 = arith.constant 0 : i8
      %broadcast_in_dim3A_34 = vector.broadcast %broadcast_in_dim3A_33 : i8 to vector<2048x1024xi8>
      %swap3A_35 = arith.constant 0 : index
      %swap3A_36 = arith.constant 0 : index
      %swap3A_37 = vector.load %arg7[%swap3A_35, %swap3A_36] : memref<2048x1024xi8, #tpu.memory_space<vmem>>, vector<2048x1024xi8>
      tpu.vector_store %arg7[%swap3A_35, %swap3A_36], %broadcast_in_dim3A_34 {strides = array<i32>} : memref<2048x1024xi8, #tpu.memory_space<vmem>>, vector<2048x1024xi8>,
    } else {
    }
    %gt3A = arith.constant 0 : i32
    %gt3A_22 = arith.cmpi sgt, %arg1, %gt3A : i32
    %convert_element_type3A_23 = arith.extui %gt3A_22 : i1 to i32
    %cond3A_24 = arith.constant 0 : i32
    %cond3A_25 = arith.cmpi ne, %convert_element_type3A_23, %cond3A_24 : i32
    scf.if %cond3A_25 {
      %get3A_31 = arith.constant 0 : index
      %get3A_32 = arith.constant 0 : index
      %get3A_33 = vector.load %arg6[%get3A_31, %get3A_32] : memref<2048x1024xf32, #tpu.memory_space<vmem>>, vector<2048x1024xf32>
      %lt3A = arith.cmpf olt, %add3A_16, %get3A_33 : vector<2048x1024xf32>
      %min3A = arith.minimumf %add3A_16, %get3A_33 : vector<2048x1024xf32>
      %swap3A = arith.constant 0 : index
      %swap3A_34 = arith.constant 0 : index
      %swap3A_35 = vector.load %arg6[%swap3A, %swap3A_34] : memref<2048x1024xf32, #tpu.memory_space<vmem>>, vector<2048x1024xf32>
      tpu.vector_store %arg6[%swap3A, %swap3A_34], %min3A {strides = array<i32>} : memref<2048x1024xf32, #tpu.memory_space<vmem>>, vector<2048x1024xf32>,
      %convert_element_type3A_36 = arith.trunci %arg1 : i32 to i8
      %broadcast_in_dim3A_37 = vector.broadcast %convert_element_type3A_36 : i8 to vector<2048x1024xi8>
      %get3A_38 = arith.constant 0 : index
      %get3A_39 = arith.constant 0 : index
      %get3A_40 = vector.load %arg7[%get3A_38, %get3A_39] : memref<2048x1024xi8, #tpu.memory_space<vmem>>, vector<2048x1024xi8>
      %select_n3A = arith.select %lt3A, %broadcast_in_dim3A_37, %get3A_40 : vector<2048x1024xi1>, vector<2048x1024xi8>
      %swap3A_41 = arith.constant 0 : index
      %swap3A_42 = arith.constant 0 : index
      %swap3A_43 = vector.load %arg7[%swap3A_41, %swap3A_42] : memref<2048x1024xi8, #tpu.memory_space<vmem>>, vector<2048x1024xi8>
      tpu.vector_store %arg7[%swap3A_41, %swap3A_42], %select_n3A {strides = array<i32>} : memref<2048x1024xi8, #tpu.memory_space<vmem>>, vector<2048x1024xi8>,
    } else {
    }
    %eq3A_26 = arith.constant 7 : i32
    %eq3A_27 = arith.cmpi eq, %arg1, %eq3A_26 : i32
    %convert_element_type3A_28 = arith.extui %eq3A_27 : i1 to i32
    %cond3A_29 = arith.constant 0 : i32
    %cond3A_30 = arith.cmpi ne, %convert_element_type3A_28, %cond3A_29 : i32
    scf.if %cond3A_30 {
      %get3A_31 = arith.constant 0 : index
      %get3A_32 = arith.constant 0 : index
      %get3A_33 = vector.load %arg6[%get3A_31, %get3A_32] : memref<2048x1024xf32, #tpu.memory_space<vmem>>, vector<2048x1024xf32>
      %reduce_min3A = arith.constant dense<0x7F800000> : vector<2048xf32>
      %reduce_min3A_34 = vector.multi_reduction <minimumf>, %get3A_33, %reduce_min3A [1] : vector<2048x1024xf32> to vector<2048xf32>
      %iota3A = tpu.iota {dimensions = array<i32: 1>} : vector<2048x1024xi32>
      %get3A_35 = arith.constant 0 : index
      %get3A_36 = arith.constant 0 : index
      %get3A_37 = vector.load %arg7[%get3A_35, %get3A_36] : memref<2048x1024xi8, #tpu.memory_space<vmem>>, vector<2048x1024xi8>
      %convert_element_type3A_38 = arith.extsi %get3A_37 : vector<2048x1024xi8> to vector<2048x1024xi32>
      %mul3A_39 = arith.constant 1024 : i32
      %mul3A_40 = vector.broadcast %mul3A_39 : i32 to vector<2048x1024xi32>
      %mul3A_41 = arith.muli %convert_element_type3A_38, %mul3A_40 : vector<2048x1024xi32>
      %add3A_42 = arith.addi %mul3A_41, %iota3A : vector<2048x1024xi32>
      %broadcast_in_dim3A_43 = vector.shape_cast %reduce_min3A_34 : vector<2048xf32> to vector<2048x1xf32>
      %eq3A_44 = vector.broadcast %broadcast_in_dim3A_43 : vector<2048x1xf32> to vector<2048x1024xf32>
      %eq3A_45 = arith.cmpf oeq, %get3A_33, %eq3A_44 : vector<2048x1024xf32>
      %jit3A = arith.constant 8192 : i32
      %broadcast_in_dim3A_46 = vector.broadcast %jit3A : i32 to vector<2048x1024xi32>
      %select_n3A = arith.select %eq3A_45, %add3A_42, %broadcast_in_dim3A_46 : vector<2048x1024xi1>, vector<2048x1024xi32>
      %reduce_min3A_47 = arith.constant dense<2147483647> : vector<2048xi32>
      %reduce_min3A_48 = vector.multi_reduction <minsi>, %select_n3A, %reduce_min3A_47 [1] : vector<2048x1024xi32> to vector<2048xi32>
      %broadcast_in_dim3A_49 = vector.shape_cast %reduce_min3A_48 : vector<2048xi32> to vector<1x2048xi32>
      %swap3A = arith.constant 0 : index
      %swap3A_50 = arith.constant 0 : index
      %swap3A_51 = arith.constant 0 : index
      %swap3A_52 = vector.load %arg5[%swap3A, %swap3A_50, %swap3A_51] : memref<1x1x2048xi32, #tpu.memory_space<vmem>>, vector<1x1x2048xi32>
      %swap3A_53 = vector.shape_cast %swap3A_52 : vector<1x1x2048xi32> to vector<1x2048xi32>
      %swap3A_54 = vector.shape_cast %broadcast_in_dim3A_49 : vector<1x2048xi32> to vector<1x1x2048xi32>
      tpu.vector_store %arg5[%swap3A, %swap3A_50, %swap3A_51], %swap3A_54 {strides = array<i32>} : memref<1x1x2048xi32, #tpu.memory_space<vmem>>, vector<1x1x2048xi32>,
    } else {
    }
    return
  }
  func.func @transform_0(%arg0: i32, %arg1: i32) -> (i32, i32) {
    %c0_i32 = arith.constant 0 : i32
    %c0_i32_0 = arith.constant 0 : i32
    return %c0_i32, %arg0 : i32, i32
  }
  func.func @transform_1(%arg0: i32, %arg1: i32) -> (i32, i32, i32) {
    %c0_i32 = arith.constant 0 : i32
    %c0_i32_0 = arith.constant 0 : i32
    %c0_i32_1 = arith.constant 0 : i32
    return %arg0, %c0_i32, %c0_i32_0 : i32, i32, i32
  }
  func.func @transform_2(%arg0: i32, %arg1: i32) -> (i32, i32, i32, i32) {
    %c1_i32 = arith.constant 1 : i32
    %c0_i32 = arith.constant 0 : i32
    %c0_i32_0 = arith.constant 0 : i32
    return %arg0, %c1_i32, %arg1, %c0_i32 : i32, i32, i32, i32
  }
  func.func @transform_3(%arg0: i32, %arg1: i32) -> (i32, i32, i32) {
    %c0_i32 = arith.constant 0 : i32
    %c0_i32_0 = arith.constant 0 : i32
    %c0_i32_1 = arith.constant 0 : i32
    return %arg0, %c0_i32, %c0_i32_0 : i32, i32, i32
  }
}

module attributes {stable_mosaic.version = 14 : i64} {
  func.func @_finalize_body(%arg0: i32, %arg1: memref<2048x256xf32, #tpu.memory_space<vmem>>, %arg2: memref<1x2048x256xf32, #tpu.memory_space<vmem>>, %arg3: memref<1x2048x256xf32, #tpu.memory_space<vmem>>, %arg4: memref<1x1x8192xf32, #tpu.memory_space<vmem>>, %arg5: memref<2048x256xf32, #tpu.memory_space<vmem>>, %arg6: memref<1x1x1xf32, #tpu.memory_space<vmem>>, %arg7: memref<1x1x1xf32, #tpu.memory_space<vmem>>) attributes {dimension_semantics = [#tpu.dimension_semantics<arbitrary>], iteration_bounds = array<i64: 2>, scalar_prefetch = 0 : i64, scratch_operands = 0 : i64, tpu.core_type = #tpu.core_type<tc>, window_params = [{transform_indices = @transform_0, window_bounds = array<i64: 2048, 256>}, {transform_indices = @transform_1, window_bounds = array<i64: 1, 2048, 256>}, {transform_indices = @transform_2, window_bounds = array<i64: 1, 2048, 256>}, {transform_indices = @transform_3, window_bounds = array<i64: 1, 1, 8192>}, {transform_indices = @transform_4, window_bounds = array<i64: 2048, 256>}, {transform_indices = @transform_5, window_bounds = array<i64: 1, 1, 1>}, {transform_indices = @transform_6, window_bounds = array<i64: 1, 1, 1>}]} {
    %get3A = arith.constant 0 : index
    %get3A_0 = arith.constant 0 : index
    %get3A_1 = vector.load %arg1[%get3A, %get3A_0] : memref<2048x256xf32, #tpu.memory_space<vmem>>, vector<2048x256xf32>
    %get3A_2 = arith.constant 0 : index
    %get3A_3 = arith.constant 0 : index
    %get3A_4 = arith.constant 0 : index
    %get3A_5 = vector.load %arg2[%get3A_2, %get3A_3, %get3A_4] : memref<1x2048x256xf32, #tpu.memory_space<vmem>>, vector<1x2048x256xf32>
    %get3A_6 = vector.shape_cast %get3A_5 : vector<1x2048x256xf32> to vector<2048x256xf32>
    %get3A_7 = arith.constant 0 : index
    %get3A_8 = arith.constant 0 : index
    %get3A_9 = arith.constant 0 : index
    %get3A_10 = vector.load %arg3[%get3A_7, %get3A_8, %get3A_9] : memref<1x2048x256xf32, #tpu.memory_space<vmem>>, vector<1x2048x256xf32>
    %get3A_11 = vector.shape_cast %get3A_10 : vector<1x2048x256xf32> to vector<2048x256xf32>
    %add3A = arith.addf %get3A_6, %get3A_11 : vector<2048x256xf32>
    %swap3A = arith.constant 0 : index
    %swap3A_12 = arith.constant 0 : index
    %swap3A_13 = vector.load %arg5[%swap3A, %swap3A_12] : memref<2048x256xf32, #tpu.memory_space<vmem>>, vector<2048x256xf32>
    tpu.vector_store %arg5[%swap3A, %swap3A_12], %add3A {strides = array<i32>} : memref<2048x256xf32, #tpu.memory_space<vmem>>, vector<2048x256xf32>,
    %sub3A = arith.subf %get3A_1, %get3A_6 : vector<2048x256xf32>
    %mul3A = arith.mulf %sub3A, %sub3A : vector<2048x256xf32>
    %reshape3A = vector.shape_cast %mul3A : vector<2048x256xf32> to vector<1x524288xf32>
    %reduce_sum3A = arith.constant dense<0.000000e+00> : vector<1xf32>
    %reduce_sum3A_14 = vector.multi_reduction <add>, %reshape3A, %reduce_sum3A [1] : vector<1x524288xf32> to vector<1xf32>
    %broadcast_in_dim3A = vector.shape_cast %reduce_sum3A_14 : vector<1xf32> to vector<1x1xf32>
    %sub3A_15 = arith.subf %sub3A, %get3A_11 : vector<2048x256xf32>
    %mul3A_16 = arith.mulf %sub3A_15, %sub3A_15 : vector<2048x256xf32>
    %reshape3A_17 = vector.shape_cast %mul3A_16 : vector<2048x256xf32> to vector<1x524288xf32>
    %reduce_sum3A_18 = arith.constant dense<0.000000e+00> : vector<1xf32>
    %reduce_sum3A_19 = vector.multi_reduction <add>, %reshape3A_17, %reduce_sum3A_18 [1] : vector<1x524288xf32> to vector<1xf32>
    %broadcast_in_dim3A_20 = vector.shape_cast %reduce_sum3A_19 : vector<1xf32> to vector<1x1xf32>
    %add3A_21 = arith.addf %broadcast_in_dim3A, %broadcast_in_dim3A_20 : vector<1x1xf32>
    %mul3A_22 = arith.constant 1.90734863E-6 : f32
    %mul3A_23 = vector.broadcast %mul3A_22 : f32 to vector<1x1xf32>
    %mul3A_24 = arith.mulf %add3A_21, %mul3A_23 : vector<1x1xf32>
    %swap3A_25 = arith.constant 0 : index
    %swap3A_26 = arith.constant 0 : index
    %swap3A_27 = arith.constant 0 : index
    %swap3A_28 = vector.load %arg6[%swap3A_25, %swap3A_26, %swap3A_27] : memref<1x1x1xf32, #tpu.memory_space<vmem>>, vector<1x1x1xf32>
    %swap3A_29 = vector.shape_cast %swap3A_28 : vector<1x1x1xf32> to vector<1x1xf32>
    %swap3A_30 = vector.shape_cast %mul3A_24 : vector<1x1xf32> to vector<1x1x1xf32>
    tpu.vector_store %arg6[%swap3A_25, %swap3A_26, %swap3A_27], %swap3A_30 {strides = array<i32>} : memref<1x1x1xf32, #tpu.memory_space<vmem>>, vector<1x1x1xf32>,
    %get3A_31 = arith.constant 0 : index
    %get3A_32 = arith.constant 0 : index
    %get3A_33 = arith.constant 0 : index
    %get3A_34 = vector.load %arg4[%get3A_31, %get3A_32, %get3A_33] : memref<1x1x8192xf32, #tpu.memory_space<vmem>>, vector<1x1x8192xf32>
    %get3A_35 = vector.shape_cast %get3A_34 : vector<1x1x8192xf32> to vector<1x8192xf32>
    %mul3A_36 = arith.constant 4.8828125E-4 : f32
    %mul3A_37 = vector.broadcast %mul3A_36 : f32 to vector<1x8192xf32>
    %mul3A_38 = arith.mulf %get3A_35, %mul3A_37 : vector<1x8192xf32>
    %add3A_39 = arith.constant 1.000000e-07 : f32
    %add3A_40 = vector.broadcast %add3A_39 : f32 to vector<1x8192xf32>
    %add3A_41 = arith.addf %mul3A_38, %add3A_40 : vector<1x8192xf32>
    %log3A = math.log %add3A_41 : vector<1x8192xf32>
    %mul3A_42 = arith.mulf %mul3A_38, %log3A : vector<1x8192xf32>
    %reduce_sum3A_43 = arith.constant dense<0.000000e+00> : vector<1xf32>
    %reduce_sum3A_44 = vector.multi_reduction <add>, %mul3A_42, %reduce_sum3A_43 [1] : vector<1x8192xf32> to vector<1xf32>
    %broadcast_in_dim3A_45 = vector.shape_cast %reduce_sum3A_44 : vector<1xf32> to vector<1x1xf32>
    %neg3A = arith.constant 0.000000e+00 : f32
    %neg3A_46 = vector.broadcast %neg3A : f32 to vector<1x1xf32>
    %neg3A_47 = arith.subf %neg3A_46, %broadcast_in_dim3A_45 : vector<1x1xf32>
    %exp3A = math.exp %neg3A_47 : vector<1x1xf32>
    %swap3A_48 = arith.constant 0 : index
    %swap3A_49 = arith.constant 0 : index
    %swap3A_50 = arith.constant 0 : index
    %swap3A_51 = vector.load %arg7[%swap3A_48, %swap3A_49, %swap3A_50] : memref<1x1x1xf32, #tpu.memory_space<vmem>>, vector<1x1x1xf32>
    %swap3A_52 = vector.shape_cast %swap3A_51 : vector<1x1x1xf32> to vector<1x1xf32>
    %swap3A_53 = vector.shape_cast %exp3A : vector<1x1xf32> to vector<1x1x1xf32>
    tpu.vector_store %arg7[%swap3A_48, %swap3A_49, %swap3A_50], %swap3A_53 {strides = array<i32>} : memref<1x1x1xf32, #tpu.memory_space<vmem>>, vector<1x1x1xf32>,
    return
  }
  func.func @transform_0(%arg0: i32) -> (i32, i32) {
    %c0_i32 = arith.constant 0 : i32
    %c0_i32_0 = arith.constant 0 : i32
    return %c0_i32, %arg0 : i32, i32
  }
  func.func @transform_1(%arg0: i32) -> (i32, i32, i32) {
    %c0_i32 = arith.constant 0 : i32
    %c0_i32_0 = arith.constant 0 : i32
    %c0_i32_1 = arith.constant 0 : i32
    return %arg0, %c0_i32, %c0_i32_0 : i32, i32, i32
  }
  func.func @transform_2(%arg0: i32) -> (i32, i32, i32) {
    %c0_i32 = arith.constant 0 : i32
    %c0_i32_0 = arith.constant 0 : i32
    %c0_i32_1 = arith.constant 0 : i32
    return %arg0, %c0_i32, %c0_i32_0 : i32, i32, i32
  }
  func.func @transform_3(%arg0: i32) -> (i32, i32, i32) {
    %c0_i32 = arith.constant 0 : i32
    %c0_i32_0 = arith.constant 0 : i32
    %c0_i32_1 = arith.constant 0 : i32
    return %arg0, %c0_i32, %c0_i32_0 : i32, i32, i32
  }
  func.func @transform_4(%arg0: i32) -> (i32, i32) {
    %c0_i32 = arith.constant 0 : i32
    %c0_i32_0 = arith.constant 0 : i32
    return %c0_i32, %arg0 : i32, i32
  }
  func.func @transform_5(%arg0: i32) -> (i32, i32, i32) {
    %c0_i32 = arith.constant 0 : i32
    %c0_i32_0 = arith.constant 0 : i32
    %c0_i32_1 = arith.constant 0 : i32
    return %arg0, %c0_i32, %c0_i32_0 : i32, i32, i32
  }
  func.func @transform_6(%arg0: i32) -> (i32, i32, i32) {
    %c0_i32 = arith.constant 0 : i32
    %c0_i32_0 = arith.constant 0 : i32
    %c0_i32_1 = arith.constant 0 : i32
    return %arg0, %c0_i32, %c0_i32_0 : i32, i32, i32
  }
}

</mosaic_0001>

<sc_bundles>
// kernel: kernel.11.cloned.1.call-start
scs
__scs_entry_jumppad:
0x0: {  	(pc) =	sbr.rel $0x88, $3  }
0x1: {  	(tag) =	ssettag $0x0;
	lr =	simm.s32 $0x1  }
0x2: {  	[smem:$0x3F9F] =	sst lr;
	_ =	strace $0xD0000000  }
0x3: {  	_ = 	snop  }
0x4: {  	_ = 	snop  }
0x5: {  	_ = 	snop  }
0x6: {  	_ = 	snop  }
0x7: {  	_ = 	snop  }
__scs_overlays_trampoline_lowered:
0x8: {  	[smem:$0x3FAE] =	sst s0  }
0x9: {  	[smem:$0x3FAF] =	sst s1  }
0xa: {  	[smem:$0x3FB0] =	sst s2  }
0xb: {  	[smem:$0x3FB1] =	sst s3  }
0xc: {  	[smem:$0x3FB2] =	sst s4  }
0xd: {  	[smem:$0x3FB3] =	sst s5  }
0xe: {  	[smem:$0x3FB4] =	sst s6  }
0xf: {  	[smem:$0x3FB5] =	sst s7  }
0x10: {  	[smem:$0x3FB6] =	sst s8  }
0x11: {  	[smem:$0x3FB7] =	sst s9;
	s0 =	simm.s32 @!p0 $0x0  }
0x12: {  	s1 =	sld [smem:$0x3F9D];
	s0 =	simm.s32 @p0 $0x1  }
0x13: {  	[smem:$0x3FB8] =	sst s0;
	s0 =	simm.s32 @!p1 $0x0  }
0x14: {  	s2 =	sld [smem:$0x3F9C];
	s0 =	simm.s32 @p1 $0x1  }
0x15: {  	[smem:$0x3FB9] =	sst s0;
	s0 =	simm.s32 @!p2 $0x0  }
0x16: {  	s3 =	sld [smem:$0x3FDB];
	s0 =	simm.s32 @p2 $0x1  }
0x17: {  	s4 =	simm.s32 $0x1BF5;
	[smem:$0x3FBB] =	sst s0  }
0x18: {  	s0 =	sld [smem:$0x3F9E];
	_ =	swait.ge [sflag:s4], $0x0  }
0x19: {  	s7 =	sld [smem:$0x3F9F]  }
0x1a: {  	s8 =	sadd.s32 $0xFFFFE003, lr  }
0x1b: {  	s9 =	sadd.s32 $0xFFFFFEF7, lr;
	s5 =	simm.s32 $0xFFFFFFFF;
	p2 =	slt.u32 s8, $0xFFFFF086  }
0x1c: {  	p1 =	slt.u32 s9, $0xF7A;
	s5 =	simm.s32 @!p2 $0x0  }
0x1d: {  	s5 =	simm.s32 @p1 $0x1;
	p0 =	seq.s32 s7, s2  }
0x1e: {  	s7 =	smul.u32 @!p0 $0xF7A, s2;
	p2 =	seq.s32 @!p0 s5, $0x0  }
0x1f: {  	s9 =	smul.u32 $0xF7A, s1;
	s8 =	simm.s32 @!p0 $0x1BF5;
	p2 =	por !p2, p0  }
0x20: {  	[sflag:s8] =	ssyncset.s32 @!p0 $0xFFFFF086;
	s6 =	sadd.s32 @!p0 s3, s7;
	s7 =	simm.s32 @!p0 $0x108  }
0x21: {  	s3 =	sadd.s32 s3, s9;
	s6 =	sadd.s32 @!p0 $0x88, s6;
	s7 =	simm.s32 @p2 $0x1082  }
0x22: {  	[simem:s7], [sflag:s8] =	dma.local @!p0 [hbm:s6], $0xF7A  }
0x23: {  	s9 =	sor.u32 $0xD0000000, s2;
	s6 =	simm.s32 $0x108;
	_ =	swait.ge @!p0 [sflag:s8], $0x0  }
0x24: {  	s3 =	sadd.s32 $0x88, s3;
	s6 =	simm.s32 @!p1 $0x1082;
	[sflag:s4] =	ssyncset.s32 $0xFFFFF086  }
0x25: {  	[simem:s6], [sflag:s4] =	dma.local [hbm:s3], $0xF7A  }
0x26: {  	[smem:$0x3F9F] =	sst s1;
	(tag) =	ssettag s2;
	_ =	strace s9  }
0x27: {  	s1 =	sld [smem:$0x3FAF]  }
0x28: {  	s2 =	sld [smem:$0x3FB0]  }
0x29: {  	s4 =	sld [smem:$0x3FB2]  }
0x2a: {  	p0 =	seq.s32 s5, $0x0;
	s5 =	sld [smem:$0x3FB3]  }
0x2b: {  	s6 =	sld [smem:$0x3FB4]  }
0x2c: {  	s7 =	sld [smem:$0x3FB5]  }
0x2d: {  	s3 =	simm.s32 $0x108;
	s8 =	sld [smem:$0x3FB6]  }
0x2e: {  	s3 =	simm.s32 @!p0 $0x1082;
	s9 =	sld [smem:$0x3FB7]  }
0x2f: {  	lr =	sadd.s32 s0, s3;
	s0 =	sld [smem:$0x3FAE]  }
0x30: {  	s3 =	sld [smem:$0x3FB1]  }
0x31: {  	[smem:$0x3FBA] =	sst s10  }
0x32: {  	s10 =	sld [smem:$0x3FB8];
	_ =	sdelay $0x3  }
0x33: {  	p0 =	seq.s32 s10, $0x1;
	s10 =	sld [smem:$0x3FBA];
	_ =	sdelay $0x3  }
0x34: {  	[smem:$0x3FBA] =	sst s10  }
0x35: {  	s10 =	sld [smem:$0x3FB9];
	_ =	sdelay $0x3  }
0x36: {  	p1 =	seq.s32 s10, $0x1;
	s10 =	sld [smem:$0x3FBA];
	_ =	sdelay $0x3  }
0x37: {  	[smem:$0x3FBA] =	sst s10  }
0x38: {  	s10 =	sld [smem:$0x3FBB]  }
0x39: {  	_ = 	snop;
	(pc) =	sbr.ind lr, $3  }
0x3a: {  	_ = 	snop  }
0x3b: {  	_ = 	snop  }
0x3c: {  	p2 =	seq.s32 s10, $0x1;
	s10 =	sld [smem:$0x3FBA]  }
0x3d: {  	_ =	shalt  }
0x3e: {  	_ =	shalt  }
0x3f: {  	_ =	shalt  }
0x40: {  	_ =	shalt  }
0x41: {  	_ =	shalt  }
0x42: {  	_ =	shalt  }
0x43: {  	_ =	shalt  }
0x44: {  	_ =	shalt  }
0x45: {  	_ =	shalt  }
0x46: {  	_ =	shalt  }
0x47: {  	_ =	shalt  }
0x48: {  	_ =	shalt  }
0x49: {  	_ =	shalt  }
0x4a: {  	_ =	shalt  }
0x4b: {  	_ =	shalt  }
0x4c: {  	_ =	shalt  }
0x4d: {  	_ =	shalt  }
0x4e: {  	_ =	shalt  }
0x4f: {  	_ =	shalt  }
0x50: {  	_ =	shalt  }
0x51: {  	_ =	shalt  }
0x52: {  	_ =	shalt  }
0x53: {  	_ =	shalt  }
0x54: {  	_ =	shalt  }
0x55: {  	_ =	shalt  }
0x56: {  	_ =	shalt  }
0x57: {  	_ =	shalt  }
0x58: {  	_ =	shalt  }
0x59: {  	_ =	shalt  }
0x5a: {  	_ =	shalt  }
0x5b: {  	_ =	shalt  }
0x5c: {  	_ =	shalt  }
0x5d: {  	_ =	shalt  }
0x5e: {  	_ =	shalt  }
0x5f: {  	_ =	shalt  }
0x60: {  	_ =	shalt  }
0x61: {  	_ =	shalt  }
0x62: {  	_ =	shalt  }
0x63: {  	_ =	shalt  }
0x64: {  	_ =	shalt  }
0x65: {  	_ =	shalt  }
0x66: {  	_ =	shalt  }
0x67: {  	_ =	shalt  }
0x68: {  	_ =	shalt  }
0x69: {  	_ =	shalt  }
0x6a: {  	_ =	shalt  }
0x6b: {  	_ =	shalt  }
0x6c: {  	_ =	shalt  }
0x6d: {  	_ =	shalt  }
0x6e: {  	_ =	shalt  }
0x6f: {  	_ =	shalt  }
0x70: {  	_ =	shalt  }
0x71: {  	_ =	shalt  }
0x72: {  	_ =	shalt  }
0x73: {  	_ =	shalt  }
0x74: {  	_ =	shalt  }
0x75: {  	_ =	shalt  }
0x76: {  	_ =	shalt  }
0x77: {  	_ =	shalt  }
0x78: {  	_ =	shalt  }
0x79: {  	_ =	shalt  }
0x7a: {  	_ =	shalt  }
0x7b: {  	_ =	shalt  }
0x7c: {  	_ =	shalt  }
0x7d: {  	_ =	shalt  }
0x7e: {  	_ =	shalt  }
0x7f: {  	_ =	shalt  }
0x80: {  	_ =	shalt  }
0x81: {  	_ =	shalt  }
0x82: {  	_ =	shalt  }
0x83: {  	_ =	shalt  }
0x84: {  	_ =	shalt  }
0x85: {  	_ =	shalt  }
0x86: {  	_ =	shalt  }
0x87: {  	_ =	shalt  }
.Lfunc_end0:
.L_simem_size_0:
called_computation.1_lowered:
.L_overlay_start_0:
0x88: {  	s2 =	sld [smem:$0x3FD9]  }
0x89: {  	s3 =	sld [smem:$0x3FFE];
	_ =	sdelay $0x1  }
0x8a: {  	s1 =	srdreg.scid  }
0x8b: {  	s0 =	sand.u32 $0x1, s1  }
0x8c: {  	s17 =	sshll.u32 s0, $0xA;
	s2 =	sadd.s32 s3, s2  }
0x8d: {  	s2 =	sadd.s32 s2, s17  }
0x8e: {  	[smem:$0x3FC6] =	sst s2  }
0x8f: {  	_ = 	snop  }
0x90: {  	s2 =	sld [smem:$0x3FC8];
	(tm) =	ssettm $0x1  }
0x91: {  	s18 =	sld [smem:$0x3FFB];
	_ =	sdelay $0x3  }
0x92: {  	_ =	strace s18  }
0x93: {  	s3 =	sld [smem:$0x3FFC];
	_ =	sdelay $0x3  }
0x94: {  	_ =	strace s3  }
0x95: {  	s3 =	sld [smem:$0x3FFD];
	_ =	sdelay $0x3  }
0x96: {  	_ =	strace s3  }
0x97: {  	_ =	strace $0x8FFFFFFF  }
0x98: {  	s19 =	sld [smem:$0x3FDB];
	_ =	sdelay $0x1  }
0x99: {  	s4 =	simm.s32 $_scs_section_size  }
0x9a: {  	s5 =	simm.s32 $_size__tile_overlayer_lowered;
	s6 =	simm.s32 $_tile_overlayer_lowered  }
0x9b: {  	s22 =	simm.s32 $0x1BFF;
	s21 =	sshll.u32 s6, $0x1;
	s3 =	sadd.s32 s4, s19  }
0x9c: {  	s7 =	simm.s32 $0x0;
	s20 =	sshll.u32 s5, $0x1;
	s5 =	sadd.s32 s21, s3  }
0x9d: {  	[timem:s7], [sflag:s22] =	dma.local [hbm:s5], s20  }
0x9e: {  	_ =	swait.ge [sflag:s22], s20  }
0x9f: {  	s4 =	ssub.s32 $0x0, s20;
	[sflag:s22] =	ssyncset.done $0x0  }
0xa0: {  	[sflag:s22] =	ssyncadd.s32 s4;
	_ =	sdelay $0x1  }
0xa1: {  	s23 =	simm.s32 $0x1B8B  }
0xa2: {  	_ =	swait.ge [sflag:s23], $0x1  }
0xa3: {  	[sflag:s23] =	ssyncset.done $0x0  }
0xa4: {  	s25 =	simm.s32 $0x1B8E;
	s24 =	sld [smem:$0x3FFE];
	[sflag:s23] =	ssyncadd.s32 $0xFFFFFFFF  }
0xa5: {  	s26 =	simm.s32 $execute0_lowered;
	[smem:$0x3FD2] =	sst s25  }
0xa6: {  	s5 =	sshll.u32 s26, $0x1;
	_ =	strace $0x80000046;
	[dreg:$0x1] =	wrdreg $0xFFFFFFFF  }
0xa7: {  	s28 =	simm.s32 $_size_execute0_lowered;
	s3 =	sadd.s32 s3, s5;
	[dreg:$0x0] =	wrdreg $0x0  }
0xa8: {  	s5 =	sshll.u32 s28, $0x1;
	[dreg:$0x2] =	wrdreg s3  }
0xa9: {  	[dreg:$0x3] =	wrdreg s5  }
0xaa: {  	[dreg:$0x4] =	wrdreg $0xC0  }
0xab: {  	_ =	task [dreg:s7], $0x5FFFF  }
0xac: {  	[dreg:$0x1] =	wrdreg $0xFFFFFFFF  }
0xad: {  	[dreg:$0x0] =	wrdreg $0x60  }
0xae: {  	[dreg:$0x2] =	wrdreg s2  }
0xaf: {  	[dreg:$0x3] =	wrdreg s24  }
0xb0: {  	[dreg:$0x4] =	wrdreg $0xA  }
0xb1: {  	_ =	task.clear_ibuf [dreg:s7], $0x5FFFF;
	_ =	strace $0x90000046  }
0xb2: {  	s29 =	simm.s32 $0xA;
	_ =	strace $0x80000048  }
0xb3: {  	_ =	swait.ge [sflag:s29], $0x1  }
0xb4: {  	[sflag:s29] =	ssyncadd.s32 $0xFFFFFFFF  }
0xb5: {  	_ =	strace $0x90000048  }
0xb6: {  	_ =	sfence  }
0xb7: {  	s30 =	sld [smem:$0x0];
	_ =	sdelay $0x2  }
0xb8: {  	s31 =	sshll.u32 s1, $0xD;
	s1 =	sshrl.u32 s1, $0x2  }
0xb9: {  	s3 =	sand.u32 $0x4000, s31;
	s1 =	sadd.s32 s1, s30  }
0xba: {  	s0 =	sor.u32 s3, s0;
	s1 =	sshll.u32 s1, $0x11  }
0xbb: {  	s0 =	sor.u32 s1, s0  }
0xbc: {  	s0 =	sadd.s32 $0x8F2B, s0  }
0xbd: {  	[sflag:s0] =	ssyncadd.remote.s32 $0x1  }
0xbe: {  	_ =	sfence.sel $0xFFFF  }
0xbf: {  	[dreg:$0x0] =	wrdreg $0xFFFFFFFF;
	(pc) =	sbr.abs _section_cstart, $3  }
0xc0: {  	[dreg:$0x1] =	wrdreg $0xFFFFFFFF  }
0xc1: {  	_ =	task.clear_ibuf [dreg:s7], $0x2FFFF;
	_ =	strace $0x9FFFFFFF  }
0xc2: {  	(tm) =	ssettm $0x7FFFFFFF  }
0xc3: {  	_ =	shalt  }
tec
execute0_lowered:
.L_overlay_start_1:
0x0: {  	(tag) =	ssettag $0x1  }
0x1: {  	s1 =	rddreg [dreg:$0x0]  }
0x2: {  	s4 =	rddreg [dreg:$0x1]  }
0x3: {  	s0 =	rddreg [dreg:$0x2];
	s5 =	srdreg.scid  }
0x4: {  	s3 =	simm.s32 $0x0;
	s2 =	stileid.u32;
	s9 =	simm.s32 $0x880  }
0x5: {  	s10 =	simm.s32 $0x1080;
	s11 =	simm.s32 $0x1880;
	s12 =	simm.s32 $0x2080  }
0x6: {  	s13 =	simm.s32 $0x2880;
	s14 =	simm.s32 $0x3080;
	s15 =	simm.s32 $0x3880  }
0x7: {  	s16 =	simm.s32 $0x4080;
	s17 =	simm.s32 $0x4880;
	s18 =	simm.s32 $0x5080  }
0x8: {  	s19 =	simm.s32 $0x5880;
	s20 =	simm.s32 $0x6080;
	s21 =	simm.s32 $0x6880  }
0x9: {  	s22 =	simm.s32 $0x7080;
	s23 =	simm.s32 $0x7880;
	s5 =	sand.u32 $0x1, s5  }
0xa: {  	[smem:$0x7FF] =	sst s3;
	s7 =	sshll.u32 s2, $0x7;
	s6 =	sshll.u32 s5, $0xB  }
0xb: {  	s24 =	simm.s32 $0x1;
	_ =	strace $0x80000047;
	s6 =	sor.u32 s7, s6  }
0xc: {  	s5 =	ssub.s32 $0x2, s5;
	s7 =	sshrl.u32 s6, $0x3;
	s6 =	sshll.u32 s6, $0x5  }
0xd: {  	v2 =	vlaneseq.u32;
	s8 =	sshrl.u32 s5, $0x1;
	s7 =	sadd.s32 s7, s4;
	s6 =	sadd.s32 s6, s4  }
0xe: {  	vm0 =	vmmov $0xffff;
	v1 =	vshrl.u32 v2, $0x3;
	s8 =	ssub.s32 s5, s8;
	s4 =	sadd.s32 $0x21A00, s7;
	s5 =	sadd.s32 $0x21C00, s6  }
0xf: {  	v0 =	vand.u32 $0x7, v2;
	v2 =	vor.u32 $0x8, v2;
	v1 =	vmul.u32 $0x8, v1;
	s6 =	smax.u32 s8, $0x1;
	s7 =	simm.s32 $0x2;
	s8 =	simm.s32 $0x80  }
.LBB2_1:
0x10: {  	[tilespmem:s3], [sflag:$0x2] =	stream.linear.gather [hbm4b:s4+s3], $0x80, $0x38;
	[tilespmem:$0x8080] =	vst v63  }
0x11: {  	_ =	swait.ge [sflag:s7], $0x80  }
0x12: {  	[sflag:s7] =	ssyncset.done $0x0  }
0x13: {  	[sflag:s7] =	ssyncadd.s32 $0xFFFFFF80  }
0x14: {  	v3 =	vld [tilespmem:$0x0];
	_ =	sdelay $0x4  }
0x15: {  	v4 =	vshll.u32 v3, $0x1  }
0x16: {  	v3 =	vand.u32 $0x7, v3;
	v4 =	vand.u32 $0xFFFFFFF0, v4  }
0x17: {  	v3 =	vor.u32 v3, v4  }
0x18: {  	v4 =	vperm.xlane v3, v0;
	_ =	sdelay $0x1  }
0x19: {  	v3 =	vperm.xlane v3, v2;
	v4 =	vadd.s32 v1, v4;
	_ =	sdelay $0x1  }
0x1a: {  	v3 =	vadd.s32 v1, v3;
	_ =	sdelay $0x2  }
0x1b: {  	[tilespmem:s8], [sflag:$0x1] =	stream.indirect_vreg.gather [hbm4b:s1+s3], $0x80, v4, vm0, $0xb8;
	[tilespmem:$0x8080] =	vst v63  }
0x1c: {  	_ = 	snop  }
0x1d: {  	[tilespmem:s9], [sflag:$0x1] =	stream.indirect_vreg.gather [hbm4b:s1+s3], $0x80, v3, vm0, $0xb8;
	[tilespmem:$0x8080] =	vst v63  }
0x1e: {  	v3 =	vld [tilespmem:$0x10];
	_ =	sdelay $0x4  }
0x1f: {  	v57 =	vshll.u32 v3, $0x1  }
0x20: {  	v3 =	vand.u32 $0x7, v3;
	v4 =	vand.u32 $0xFFFFFFF0, v57  }
0x21: {  	v3 =	vor.u32 v3, v4  }
0x22: {  	v4 =	vperm.xlane v3, v0;
	_ =	sdelay $0x1  }
0x23: {  	v3 =	vperm.xlane v3, v2;
	v4 =	vadd.s32 v1, v4;
	_ =	sdelay $0x1  }
0x24: {  	v3 =	vadd.s32 v1, v3;
	_ =	sdelay $0x2  }
0x25: {  	[tilespmem:s10], [sflag:$0x1] =	stream.indirect_vreg.gather [hbm4b:s1+s3], $0x80, v4, vm0, $0xb8;
	[tilespmem:$0x8080] =	vst v63  }
0x26: {  	_ = 	snop  }
0x27: {  	[tilespmem:s11], [sflag:$0x1] =	stream.indirect_vreg.gather [hbm4b:s1+s3], $0x80, v3, vm0, $0xb8;
	[tilespmem:$0x8080] =	vst v63  }
0x28: {  	v3 =	vld [tilespmem:$0x20];
	_ =	sdelay $0x4  }
0x29: {  	v58 =	vshll.u32 v3, $0x1  }
0x2a: {  	v3 =	vand.u32 $0x7, v3;
	v4 =	vand.u32 $0xFFFFFFF0, v58  }
0x2b: {  	v3 =	vor.u32 v3, v4  }
0x2c: {  	v4 =	vperm.xlane v3, v0;
	_ =	sdelay $0x1  }
0x2d: {  	v3 =	vperm.xlane v3, v2;
	v4 =	vadd.s32 v1, v4;
	_ =	sdelay $0x1  }
0x2e: {  	v3 =	vadd.s32 v1, v3;
	_ =	sdelay $0x2  }
0x2f: {  	[tilespmem:s12], [sflag:$0x1] =	stream.indirect_vreg.gather [hbm4b:s1+s3], $0x80, v4, vm0, $0xb8;
	[tilespmem:$0x8080] =	vst v63  }
0x30: {  	_ = 	snop  }
0x31: {  	[tilespmem:s13], [sflag:$0x1] =	stream.indirect_vreg.gather [hbm4b:s1+s3], $0x80, v3, vm0, $0xb8;
	[tilespmem:$0x8080] =	vst v63  }
0x32: {  	v3 =	vld [tilespmem:$0x30];
	_ =	sdelay $0x4  }
0x33: {  	v59 =	vshll.u32 v3, $0x1  }
0x34: {  	v3 =	vand.u32 $0x7, v3;
	v4 =	vand.u32 $0xFFFFFFF0, v59  }
0x35: {  	v3 =	vor.u32 v3, v4  }
0x36: {  	v4 =	vperm.xlane v3, v0;
	_ =	sdelay $0x1  }
0x37: {  	v3 =	vperm.xlane v3, v2;
	v4 =	vadd.s32 v1, v4;
	_ =	sdelay $0x1  }
0x38: {  	v3 =	vadd.s32 v1, v3;
	_ =	sdelay $0x2  }
0x39: {  	[tilespmem:s14], [sflag:$0x1] =	stream.indirect_vreg.gather [hbm4b:s1+s3], $0x80, v4, vm0, $0xb8;
	[tilespmem:$0x8080] =	vst v63  }
0x3a: {  	_ = 	snop  }
0x3b: {  	[tilespmem:s15], [sflag:$0x1] =	stream.indirect_vreg.gather [hbm4b:s1+s3], $0x80, v3, vm0, $0xb8;
	[tilespmem:$0x8080] =	vst v63  }
0x3c: {  	v3 =	vld [tilespmem:$0x40];
	_ =	sdelay $0x4  }
0x3d: {  	v60 =	vshll.u32 v3, $0x1  }
0x3e: {  	v3 =	vand.u32 $0x7, v3;
	v4 =	vand.u32 $0xFFFFFFF0, v60  }
0x3f: {  	v3 =	vor.u32 v3, v4  }
0x40: {  	v4 =	vperm.xlane v3, v0;
	_ =	sdelay $0x1  }
0x41: {  	v3 =	vperm.xlane v3, v2;
	v4 =	vadd.s32 v1, v4;
	_ =	sdelay $0x1  }
0x42: {  	v3 =	vadd.s32 v1, v3;
	_ =	sdelay $0x2  }
0x43: {  	[tilespmem:s16], [sflag:$0x1] =	stream.indirect_vreg.gather [hbm4b:s1+s3], $0x80, v4, vm0, $0xb8;
	[tilespmem:$0x8080] =	vst v63  }
0x44: {  	_ = 	snop  }
0x45: {  	[tilespmem:s17], [sflag:$0x1] =	stream.indirect_vreg.gather [hbm4b:s1+s3], $0x80, v3, vm0, $0xb8;
	[tilespmem:$0x8080] =	vst v63  }
0x46: {  	v3 =	vld [tilespmem:$0x50];
	_ =	sdelay $0x4  }
0x47: {  	v61 =	vshll.u32 v3, $0x1  }
0x48: {  	v3 =	vand.u32 $0x7, v3;
	v4 =	vand.u32 $0xFFFFFFF0, v61  }
0x49: {  	v3 =	vor.u32 v3, v4  }
0x4a: {  	v4 =	vperm.xlane v3, v0;
	_ =	sdelay $0x1  }
0x4b: {  	v3 =	vperm.xlane v3, v2;
	v4 =	vadd.s32 v1, v4;
	_ =	sdelay $0x1  }
0x4c: {  	v3 =	vadd.s32 v1, v3;
	_ =	sdelay $0x2  }
0x4d: {  	[tilespmem:s18], [sflag:$0x1] =	stream.indirect_vreg.gather [hbm4b:s1+s3], $0x80, v4, vm0, $0xb8;
	[tilespmem:$0x8080] =	vst v63  }
0x4e: {  	_ = 	snop  }
0x4f: {  	[tilespmem:s19], [sflag:$0x1] =	stream.indirect_vreg.gather [hbm4b:s1+s3], $0x80, v3, vm0, $0xb8;
	[tilespmem:$0x8080] =	vst v63  }
0x50: {  	v3 =	vld [tilespmem:$0x60];
	_ =	sdelay $0x4  }
0x51: {  	v62 =	vshll.u32 v3, $0x1  }
0x52: {  	v3 =	vand.u32 $0x7, v3;
	v4 =	vand.u32 $0xFFFFFFF0, v62  }
0x53: {  	v3 =	vor.u32 v3, v4  }
0x54: {  	v4 =	vperm.xlane v3, v0;
	_ =	sdelay $0x1  }
0x55: {  	v3 =	vperm.xlane v3, v2;
	v4 =	vadd.s32 v1, v4;
	_ =	sdelay $0x1  }
0x56: {  	v3 =	vadd.s32 v1, v3;
	_ =	sdelay $0x2  }
0x57: {  	[tilespmem:s20], [sflag:$0x1] =	stream.indirect_vreg.gather [hbm4b:s1+s3], $0x80, v4, vm0, $0xb8;
	[tilespmem:$0x8080] =	vst v63  }
0x58: {  	_ = 	snop  }
0x59: {  	[tilespmem:s21], [sflag:$0x1] =	stream.indirect_vreg.gather [hbm4b:s1+s3], $0x80, v3, vm0, $0xb8;
	[tilespmem:$0x8080] =	vst v63  }
0x5a: {  	v3 =	vld [tilespmem:$0x70];
	_ =	sdelay $0x4  }
0x5b: {  	v63 =	vshll.u32 v3, $0x1  }
0x5c: {  	v3 =	vand.u32 $0x7, v3;
	v4 =	vand.u32 $0xFFFFFFF0, v63  }
0x5d: {  	v3 =	vor.u32 v3, v4  }
0x5e: {  	v4 =	vperm.xlane v3, v0;
	_ =	sdelay $0x1  }
0x5f: {  	v3 =	vperm.xlane v3, v2;
	v4 =	vadd.s32 v1, v4;
	_ =	sdelay $0x1  }
0x60: {  	v3 =	vadd.s32 v1, v3;
	_ =	sdelay $0x2  }
0x61: {  	[tilespmem:s22], [sflag:$0x1] =	stream.indirect_vreg.gather [hbm4b:s1+s3], $0x80, v4, vm0, $0xb8;
	[tilespmem:$0x8080] =	vst v63  }
0x62: {  	_ = 	snop  }
0x63: {  	[tilespmem:s23], [sflag:$0x1] =	stream.indirect_vreg.gather [hbm4b:s1+s3], $0x80, v3, vm0, $0xb8;
	[tilespmem:$0x8080] =	vst v63  }
0x64: {  	_ =	swait.ge [sflag:s24], $0x8000  }
0x65: {  	p0 =	sne.s32 s6, $0x1;
	[sflag:s24] =	ssyncset.done $0x0  }
.Ltmp0:
0x66: {  	[sflag:s24] =	ssyncadd.s32 $0xFFFF8000;
	(pc) =	sbr.rel @p0 .LBB2_1-.Ltmp0, $4  }
0x67: {  	[hbm4b:s5+s3] =	stream.linear.scatter [tilespmem:s8], [sflag:$0x2], $0x8000, $0x38;
	[tilespmem:$0x8080] =	vst v63  }
0x68: {  	_ =	swait.ge [sflag:s7], $0x8000  }
0x69: {  	[sflag:s7] =	ssyncset.done $0x0  }
0x6a: {  	s6 =	sadd.s32 $0xFFFFFFFF, s6;
	[sflag:s7] =	ssyncadd.s32 $0xFFFF8000  }
0x6b: {  	_ =	sfence.sel $0x180000  }
0x6c: {  	[bflag:$0x0] =	sbarrier.arrive $0xFFFF  }
0x6d: {  	p0 =	sne.s32 s2, $0x0;
	_ =	strace $0x90000047  }
0x6e: {  	s0 =	sadd.s32 @!p0 $0x100000, s0;
	[bflag:$0x2] =	sbarrier.arrive $0xFFFF  }
0x6f: {  	[sflag:s0] =	ssyncadd.tile.s32 @!p0 $0x1;
	_ =	shalt  }
.Lfunc_end2:
_tile_overlayer_lowered:
.L_overlay_start_2:
0x70: {  	(tag) =	ssettag $0x2  }
0x71: {  	s0 =	rddreg [dreg:$0x0];
	s2 =	stileid.u32  }
0x72: {  	s1 =	rddreg [dreg:$0x1];
	p0 =	sne.s32 s2, $0x0  }
0x73: {  	s3 =	rddreg [dreg:$0x2];
	[bflag:$0x3] =	sbarrier.arrive $0xFFFF;
	s2 =	simm.s32 @!p0 $0x1C02  }
0x74: {  	[timem:s3], [sflag:s2] =	dma.local @!p0 [hbm:s0], s1  }
0x75: {  	s0 =	simm.s32 @!p0 $0x2  }
0x76: {  	_ =	swait.ge @!p0 [sflag:s0], s1  }
0x77: {  	s1 =	ssub.s32 @!p0 $0x0, s1;
	[sflag:s0] =	ssyncset.done @!p0 $0x0  }
0x78: {  	[sflag:s0] =	ssyncadd.s32 @!p0 s1  }
0x79: {  	[bflag:$0x3] =	sbarrier.arrive $0xFFFF  }
0x7a: {  	_ =	shalt  }

// kernel: kernel.14.cloned.1.call-start
scs
__scs_entry_jumppad:
0x0: {  	(pc) =	sbr.rel $0x88, $3  }
0x1: {  	(tag) =	ssettag $0x0;
	lr =	simm.s32 $0x1  }
0x2: {  	[smem:$0x3F9F] =	sst lr;
	_ =	strace $0xD0000000  }
0x3: {  	_ = 	snop  }
0x4: {  	_ = 	snop  }
0x5: {  	_ = 	snop  }
0x6: {  	_ = 	snop  }
0x7: {  	_ = 	snop  }
__scs_overlays_trampoline_lowered:
0x8: {  	[smem:$0x3FAE] =	sst s0  }
0x9: {  	[smem:$0x3FAF] =	sst s1  }
0xa: {  	[smem:$0x3FB0] =	sst s2  }
0xb: {  	[smem:$0x3FB1] =	sst s3  }
0xc: {  	[smem:$0x3FB2] =	sst s4  }
0xd: {  	[smem:$0x3FB3] =	sst s5  }
0xe: {  	[smem:$0x3FB4] =	sst s6  }
0xf: {  	[smem:$0x3FB5] =	sst s7  }
0x10: {  	[smem:$0x3FB6] =	sst s8  }
0x11: {  	[smem:$0x3FB7] =	sst s9;
	s0 =	simm.s32 @!p0 $0x0  }
0x12: {  	s1 =	sld [smem:$0x3F9D];
	s0 =	simm.s32 @p0 $0x1  }
0x13: {  	[smem:$0x3FB8] =	sst s0;
	s0 =	simm.s32 @!p1 $0x0  }
0x14: {  	s2 =	sld [smem:$0x3F9C];
	s0 =	simm.s32 @p1 $0x1  }
0x15: {  	[smem:$0x3FB9] =	sst s0;
	s0 =	simm.s32 @!p2 $0x0  }
0x16: {  	s3 =	sld [smem:$0x3FDB];
	s0 =	simm.s32 @p2 $0x1  }
0x17: {  	s4 =	simm.s32 $0x1BF5;
	[smem:$0x3FBB] =	sst s0  }
0x18: {  	s0 =	sld [smem:$0x3F9E];
	_ =	swait.ge [sflag:s4], $0x0  }
0x19: {  	s7 =	sld [smem:$0x3F9F]  }
0x1a: {  	s8 =	sadd.s32 $0xFFFFE003, lr  }
0x1b: {  	s9 =	sadd.s32 $0xFFFFFEF7, lr;
	s5 =	simm.s32 $0xFFFFFFFF;
	p2 =	slt.u32 s8, $0xFFFFF086  }
0x1c: {  	p1 =	slt.u32 s9, $0xF7A;
	s5 =	simm.s32 @!p2 $0x0  }
0x1d: {  	s5 =	simm.s32 @p1 $0x1;
	p0 =	seq.s32 s7, s2  }
0x1e: {  	s7 =	smul.u32 @!p0 $0xF7A, s2;
	p2 =	seq.s32 @!p0 s5, $0x0  }
0x1f: {  	s9 =	smul.u32 $0xF7A, s1;
	s8 =	simm.s32 @!p0 $0x1BF5;
	p2 =	por !p2, p0  }
0x20: {  	[sflag:s8] =	ssyncset.s32 @!p0 $0xFFFFF086;
	s6 =	sadd.s32 @!p0 s3, s7;
	s7 =	simm.s32 @!p0 $0x108  }
0x21: {  	s3 =	sadd.s32 s3, s9;
	s6 =	sadd.s32 @!p0 $0x88, s6;
	s7 =	simm.s32 @p2 $0x1082  }
0x22: {  	[simem:s7], [sflag:s8] =	dma.local @!p0 [hbm:s6], $0xF7A  }
0x23: {  	s9 =	sor.u32 $0xD0000000, s2;
	s6 =	simm.s32 $0x108;
	_ =	swait.ge @!p0 [sflag:s8], $0x0  }
0x24: {  	s3 =	sadd.s32 $0x88, s3;
	s6 =	simm.s32 @!p1 $0x1082;
	[sflag:s4] =	ssyncset.s32 $0xFFFFF086  }
0x25: {  	[simem:s6], [sflag:s4] =	dma.local [hbm:s3], $0xF7A  }
0x26: {  	[smem:$0x3F9F] =	sst s1;
	(tag) =	ssettag s2;
	_ =	strace s9  }
0x27: {  	s1 =	sld [smem:$0x3FAF]  }
0x28: {  	s2 =	sld [smem:$0x3FB0]  }
0x29: {  	s4 =	sld [smem:$0x3FB2]  }
0x2a: {  	p0 =	seq.s32 s5, $0x0;
	s5 =	sld [smem:$0x3FB3]  }
0x2b: {  	s6 =	sld [smem:$0x3FB4]  }
0x2c: {  	s7 =	sld [smem:$0x3FB5]  }
0x2d: {  	s3 =	simm.s32 $0x108;
	s8 =	sld [smem:$0x3FB6]  }
0x2e: {  	s3 =	simm.s32 @!p0 $0x1082;
	s9 =	sld [smem:$0x3FB7]  }
0x2f: {  	lr =	sadd.s32 s0, s3;
	s0 =	sld [smem:$0x3FAE]  }
0x30: {  	s3 =	sld [smem:$0x3FB1]  }
0x31: {  	[smem:$0x3FBA] =	sst s10  }
0x32: {  	s10 =	sld [smem:$0x3FB8];
	_ =	sdelay $0x3  }
0x33: {  	p0 =	seq.s32 s10, $0x1;
	s10 =	sld [smem:$0x3FBA];
	_ =	sdelay $0x3  }
0x34: {  	[smem:$0x3FBA] =	sst s10  }
0x35: {  	s10 =	sld [smem:$0x3FB9];
	_ =	sdelay $0x3  }
0x36: {  	p1 =	seq.s32 s10, $0x1;
	s10 =	sld [smem:$0x3FBA];
	_ =	sdelay $0x3  }
0x37: {  	[smem:$0x3FBA] =	sst s10  }
0x38: {  	s10 =	sld [smem:$0x3FBB]  }
0x39: {  	_ = 	snop;
	(pc) =	sbr.ind lr, $3  }
0x3a: {  	_ = 	snop  }
0x3b: {  	_ = 	snop  }
0x3c: {  	p2 =	seq.s32 s10, $0x1;
	s10 =	sld [smem:$0x3FBA]  }
0x3d: {  	_ =	shalt  }
0x3e: {  	_ =	shalt  }
0x3f: {  	_ =	shalt  }
0x40: {  	_ =	shalt  }
0x41: {  	_ =	shalt  }
0x42: {  	_ =	shalt  }
0x43: {  	_ =	shalt  }
0x44: {  	_ =	shalt  }
0x45: {  	_ =	shalt  }
0x46: {  	_ =	shalt  }
0x47: {  	_ =	shalt  }
0x48: {  	_ =	shalt  }
0x49: {  	_ =	shalt  }
0x4a: {  	_ =	shalt  }
0x4b: {  	_ =	shalt  }
0x4c: {  	_ =	shalt  }
0x4d: {  	_ =	shalt  }
0x4e: {  	_ =	shalt  }
0x4f: {  	_ =	shalt  }
0x50: {  	_ =	shalt  }
0x51: {  	_ =	shalt  }
0x52: {  	_ =	shalt  }
0x53: {  	_ =	shalt  }
0x54: {  	_ =	shalt  }
0x55: {  	_ =	shalt  }
0x56: {  	_ =	shalt  }
0x57: {  	_ =	shalt  }
0x58: {  	_ =	shalt  }
0x59: {  	_ =	shalt  }
0x5a: {  	_ =	shalt  }
0x5b: {  	_ =	shalt  }
0x5c: {  	_ =	shalt  }
0x5d: {  	_ =	shalt  }
0x5e: {  	_ =	shalt  }
0x5f: {  	_ =	shalt  }
0x60: {  	_ =	shalt  }
0x61: {  	_ =	shalt  }
0x62: {  	_ =	shalt  }
0x63: {  	_ =	shalt  }
0x64: {  	_ =	shalt  }
0x65: {  	_ =	shalt  }
0x66: {  	_ =	shalt  }
0x67: {  	_ =	shalt  }
0x68: {  	_ =	shalt  }
0x69: {  	_ =	shalt  }
0x6a: {  	_ =	shalt  }
0x6b: {  	_ =	shalt  }
0x6c: {  	_ =	shalt  }
0x6d: {  	_ =	shalt  }
0x6e: {  	_ =	shalt  }
0x6f: {  	_ =	shalt  }
0x70: {  	_ =	shalt  }
0x71: {  	_ =	shalt  }
0x72: {  	_ =	shalt  }
0x73: {  	_ =	shalt  }
0x74: {  	_ =	shalt  }
0x75: {  	_ =	shalt  }
0x76: {  	_ =	shalt  }
0x77: {  	_ =	shalt  }
0x78: {  	_ =	shalt  }
0x79: {  	_ =	shalt  }
0x7a: {  	_ =	shalt  }
0x7b: {  	_ =	shalt  }
0x7c: {  	_ =	shalt  }
0x7d: {  	_ =	shalt  }
0x7e: {  	_ =	shalt  }
0x7f: {  	_ =	shalt  }
0x80: {  	_ =	shalt  }
0x81: {  	_ =	shalt  }
0x82: {  	_ =	shalt  }
0x83: {  	_ =	shalt  }
0x84: {  	_ =	shalt  }
0x85: {  	_ =	shalt  }
0x86: {  	_ =	shalt  }
0x87: {  	_ =	shalt  }
.Lfunc_end0:
.L_simem_size_0:
called_computation.2_lowered:
.L_overlay_start_0:
0x88: {  	s2 =	sld [smem:$0x3FD9]  }
0x89: {  	s3 =	sld [smem:$0x3FFE];
	_ =	sdelay $0x1  }
0x8a: {  	s1 =	srdreg.scid  }
0x8b: {  	s0 =	sand.u32 $0x1, s1  }
0x8c: {  	s17 =	sshll.u32 s0, $0xA;
	s2 =	sadd.s32 s3, s2  }
0x8d: {  	s2 =	sadd.s32 s2, s17  }
0x8e: {  	[smem:$0x3FC6] =	sst s2  }
0x8f: {  	_ = 	snop  }
0x90: {  	s18 =	sld [smem:$0x3FC8];
	(tm) =	ssettm $0x1  }
0x91: {  	s19 =	sld [smem:$0x3FFB];
	_ =	sdelay $0x3  }
0x92: {  	_ =	strace s19  }
0x93: {  	s2 =	sld [smem:$0x3FFC];
	_ =	sdelay $0x3  }
0x94: {  	_ =	strace s2  }
0x95: {  	s2 =	sld [smem:$0x3FFD];
	_ =	sdelay $0x3  }
0x96: {  	_ =	strace s2  }
0x97: {  	_ =	strace $0x8FFFFFFF  }
0x98: {  	s20 =	sld [smem:$0x3FDB];
	_ =	sdelay $0x1  }
0x99: {  	s4 =	simm.s32 $_scs_section_size  }
0x9a: {  	s5 =	simm.s32 $_size__tile_overlayer_lowered;
	s6 =	simm.s32 $_tile_overlayer_lowered  }
0x9b: {  	s7 =	simm.s32 $0x1BFF;
	s21 =	sshll.u32 s6, $0x1;
	s4 =	sadd.s32 s4, s20  }
0x9c: {  	s22 =	simm.s32 $0x0;
	s5 =	sshll.u32 s5, $0x1;
	s6 =	sadd.s32 s21, s4  }
0x9d: {  	[timem:s22], [sflag:s7] =	dma.local [hbm:s6], s5  }
0x9e: {  	_ =	swait.ge [sflag:s7], s5  }
0x9f: {  	s5 =	ssub.s32 $0x0, s5;
	[sflag:s7] =	ssyncset.done $0x0  }
0xa0: {  	[sflag:s7] =	ssyncadd.s32 s5;
	_ =	sdelay $0x1  }
0xa1: {  	s23 =	simm.s32 $0x1B8B  }
0xa2: {  	_ =	swait.ge [sflag:s23], $0x1  }
0xa3: {  	[sflag:s23] =	ssyncset.done $0x0  }
0xa4: {  	[sflag:s23] =	ssyncadd.s32 $0xFFFFFFFF  }
0xa5: {  	s5 =	sld [smem:$0x0]  }
0xa6: {  	s6 =	sand.u32 $0xFFFFFFFE, s1  }
0xa7: {  	p0 =	sne.s32 s1, s6  }
0xa8: {  	s6 =	sshll.u32 @p0 s6, $0xE  }
0xa9: {  	s6 =	sadd.s32 @p0 $0x11B8D, s6;
	s7 =	sshll.u32 @p0 s5, $0x11  }
0xaa: {  	s6 =	sor.u32 @p0 s7, s6  }
0xab: {  	[sflag:s6] =	ssyncadd.remote.s32 @p0 $0x1;
	_ =	sdelay $0x1  }
0xac: {  	s6 =	simm.s32 @p0 $0x1B8D  }
0xad: {  	_ =	swait.eq @p0 [sflag:s6], $0x1  }
0xae: {  	[sflag:s6] =	ssyncadd.s32 @p0 $0xFFFFFFFF  }
0xaf: {  	s7 =	sshll.u32 @!p0 s1, $0xE  }
0xb0: {  	s7 =	sor.u32 @!p0 $0x4000, s7;
	s6 =	simm.s32 @!p0 $0x1B8D  }
0xb1: {  	s5 =	sshll.u32 @!p0 s5, $0x11;
	s7 =	sadd.s32 @!p0 $0x11B8D, s7;
	_ =	swait.eq @!p0 [sflag:s6], $0x1  }
0xb2: {  	s5 =	sor.u32 @!p0 s5, s7;
	[sflag:s6] =	ssyncadd.s32 @!p0 $0xFFFFFFFF  }
0xb3: {  	s25 =	simm.s32 $0x1B8E;
	s24 =	sld [smem:$0x3FFE];
	[sflag:s5] =	ssyncadd.remote.s32 @!p0 $0x1  }
0xb4: {  	s26 =	simm.s32 $execute0_lowered;
	[smem:$0x3FD2] =	sst s25  }
0xb5: {  	s6 =	sshll.u32 s26, $0x1;
	_ =	strace $0x8000004C;
	[dreg:$0x1] =	wrdreg $0xFFFFFFFF  }
0xb6: {  	s28 =	simm.s32 $_size_execute0_lowered;
	s4 =	sadd.s32 s4, s6;
	[dreg:$0x0] =	wrdreg $0x0  }
0xb7: {  	s6 =	sshll.u32 s28, $0x1;
	[dreg:$0x2] =	wrdreg s4  }
0xb8: {  	[dreg:$0x3] =	wrdreg s6  }
0xb9: {  	[dreg:$0x4] =	wrdreg $0xC0  }
0xba: {  	_ =	task [dreg:s22], $0x5FFFF  }
0xbb: {  	[dreg:$0x1] =	wrdreg $0xFFFFFFFF  }
0xbc: {  	[dreg:$0x0] =	wrdreg $0x60  }
0xbd: {  	[dreg:$0x2] =	wrdreg s18  }
0xbe: {  	[dreg:$0x3] =	wrdreg s24  }
0xbf: {  	[dreg:$0x4] =	wrdreg $0xA  }
0xc0: {  	_ =	task.clear_ibuf [dreg:s22], $0x5FFFF;
	_ =	strace $0x9000004C  }
0xc1: {  	s29 =	simm.s32 $0xA;
	_ =	strace $0x8000004E  }
0xc2: {  	_ =	swait.ge [sflag:s29], $0x1  }
0xc3: {  	[sflag:s29] =	ssyncadd.s32 $0xFFFFFFFF  }
0xc4: {  	_ =	strace $0x9000004E  }
0xc5: {  	_ =	sfence  }
0xc6: {  	s30 =	sld [smem:$0x0];
	_ =	sdelay $0x2  }
0xc7: {  	s31 =	sshll.u32 s1, $0xD;
	s1 =	sshrl.u32 s1, $0x2  }
0xc8: {  	s4 =	sand.u32 $0x4000, s31;
	s1 =	sadd.s32 s1, s30  }
0xc9: {  	s0 =	sor.u32 s4, s0;
	s1 =	sshll.u32 s1, $0x11  }
0xca: {  	s0 =	sor.u32 s1, s0  }
0xcb: {  	s0 =	sadd.s32 $0x8F2B, s0  }
0xcc: {  	[sflag:s0] =	ssyncadd.remote.s32 $0x1  }
0xcd: {  	_ =	sfence.sel $0xFFFF  }
0xce: {  	[dreg:$0x0] =	wrdreg $0xFFFFFFFF;
	(pc) =	sbr.abs _section_cstart, $3  }
0xcf: {  	[dreg:$0x1] =	wrdreg $0xFFFFFFFF  }
0xd0: {  	_ =	task.clear_ibuf [dreg:s22], $0x2FFFF;
	_ =	strace $0x9FFFFFFF  }
0xd1: {  	(tm) =	ssettm $0x7FFFFFFF  }
tec
execute0_lowered:
.L_overlay_start_1:
0x0: {  	(tag) =	ssettag $0x1  }
0x1: {  	s1 =	rddreg [dreg:$0x0]  }
0x2: {  	s4 =	rddreg [dreg:$0x1]  }
0x3: {  	s0 =	rddreg [dreg:$0x2];
	s5 =	srdreg.scid  }
0x4: {  	s3 =	simm.s32 $0x0;
	s2 =	stileid.u32;
	s9 =	simm.s32 $0x880  }
0x5: {  	s10 =	simm.s32 $0x1080;
	s11 =	simm.s32 $0x1880;
	s12 =	simm.s32 $0x2080  }
0x6: {  	s13 =	simm.s32 $0x2880;
	s14 =	simm.s32 $0x3080;
	s15 =	simm.s32 $0x3880  }
0x7: {  	s16 =	simm.s32 $0x4080;
	s17 =	simm.s32 $0x4880;
	s18 =	simm.s32 $0x5080  }
0x8: {  	s19 =	simm.s32 $0x5880;
	s20 =	simm.s32 $0x6080;
	s21 =	simm.s32 $0x6880  }
0x9: {  	s22 =	simm.s32 $0x7080;
	s23 =	simm.s32 $0x7880;
	s5 =	sand.u32 $0x1, s5  }
0xa: {  	[smem:$0x7FF] =	sst s3;
	s7 =	sshll.u32 s2, $0x7;
	s6 =	sshll.u32 s5, $0xB  }
0xb: {  	s24 =	simm.s32 $0x1;
	_ =	strace $0x8000004D;
	s6 =	sor.u32 s7, s6  }
0xc: {  	s5 =	ssub.s32 $0x2, s5;
	s7 =	sshrl.u32 s6, $0x3;
	s6 =	sshll.u32 s6, $0x5  }
0xd: {  	v2 =	vlaneseq.u32;
	s8 =	sshrl.u32 s5, $0x1;
	s7 =	sadd.s32 s7, s4;
	s6 =	sadd.s32 s6, s4  }
0xe: {  	vm0 =	vmmov $0xffff;
	v1 =	vshrl.u32 v2, $0x3;
	s8 =	ssub.s32 s5, s8;
	s4 =	sadd.s32 $0x1800, s7;
	s5 =	sadd.s32 $0x42A00, s6  }
0xf: {  	v0 =	vand.u32 $0x7, v2;
	v2 =	vor.u32 $0x8, v2;
	v1 =	vmul.u32 $0x8, v1;
	s6 =	smax.u32 s8, $0x1;
	s7 =	simm.s32 $0x2;
	s8 =	simm.s32 $0x80  }
.LBB2_1:
0x10: {  	[tilespmem:s3], [sflag:$0x2] =	stream.linear.gather [hbm4b:s4+s3], $0x80, $0x38;
	[tilespmem:$0x8080] =	vst v63  }
0x11: {  	_ =	swait.ge [sflag:s7], $0x80  }
0x12: {  	[sflag:s7] =	ssyncset.done $0x0  }
0x13: {  	[sflag:s7] =	ssyncadd.s32 $0xFFFFFF80  }
0x14: {  	v3 =	vld [tilespmem:$0x0];
	_ =	sdelay $0x4  }
0x15: {  	v4 =	vshll.u32 v3, $0x1  }
0x16: {  	v3 =	vand.u32 $0x7, v3;
	v4 =	vand.u32 $0xFFFFFFF0, v4  }
0x17: {  	v3 =	vor.u32 v3, v4  }
0x18: {  	v4 =	vperm.xlane v3, v0;
	_ =	sdelay $0x1  }
0x19: {  	v3 =	vperm.xlane v3, v2;
	v4 =	vadd.s32 v1, v4;
	_ =	sdelay $0x1  }
0x1a: {  	v3 =	vadd.s32 v1, v3;
	_ =	sdelay $0x2  }
0x1b: {  	[tilespmem:s8], [sflag:$0x1] =	stream.indirect_vreg.gather [hbm4b:s1+s3], $0x80, v4, vm0, $0xb8;
	[tilespmem:$0x8080] =	vst v63  }
0x1c: {  	_ = 	snop  }
0x1d: {  	[tilespmem:s9], [sflag:$0x1] =	stream.indirect_vreg.gather [hbm4b:s1+s3], $0x80, v3, vm0, $0xb8;
	[tilespmem:$0x8080] =	vst v63  }
0x1e: {  	v3 =	vld [tilespmem:$0x10];
	_ =	sdelay $0x4  }
0x1f: {  	v57 =	vshll.u32 v3, $0x1  }
0x20: {  	v3 =	vand.u32 $0x7, v3;
	v4 =	vand.u32 $0xFFFFFFF0, v57  }
0x21: {  	v3 =	vor.u32 v3, v4  }
0x22: {  	v4 =	vperm.xlane v3, v0;
	_ =	sdelay $0x1  }
0x23: {  	v3 =	vperm.xlane v3, v2;
	v4 =	vadd.s32 v1, v4;
	_ =	sdelay $0x1  }
0x24: {  	v3 =	vadd.s32 v1, v3;
	_ =	sdelay $0x2  }
0x25: {  	[tilespmem:s10], [sflag:$0x1] =	stream.indirect_vreg.gather [hbm4b:s1+s3], $0x80, v4, vm0, $0xb8;
	[tilespmem:$0x8080] =	vst v63  }
0x26: {  	_ = 	snop  }
0x27: {  	[tilespmem:s11], [sflag:$0x1] =	stream.indirect_vreg.gather [hbm4b:s1+s3], $0x80, v3, vm0, $0xb8;
	[tilespmem:$0x8080] =	vst v63  }
0x28: {  	v3 =	vld [tilespmem:$0x20];
	_ =	sdelay $0x4  }
0x29: {  	v58 =	vshll.u32 v3, $0x1  }
0x2a: {  	v3 =	vand.u32 $0x7, v3;
	v4 =	vand.u32 $0xFFFFFFF0, v58  }
0x2b: {  	v3 =	vor.u32 v3, v4  }
0x2c: {  	v4 =	vperm.xlane v3, v0;
	_ =	sdelay $0x1  }
0x2d: {  	v3 =	vperm.xlane v3, v2;
	v4 =	vadd.s32 v1, v4;
	_ =	sdelay $0x1  }
0x2e: {  	v3 =	vadd.s32 v1, v3;
	_ =	sdelay $0x2  }
0x2f: {  	[tilespmem:s12], [sflag:$0x1] =	stream.indirect_vreg.gather [hbm4b:s1+s3], $0x80, v4, vm0, $0xb8;
	[tilespmem:$0x8080] =	vst v63  }
0x30: {  	_ = 	snop  }
0x31: {  	[tilespmem:s13], [sflag:$0x1] =	stream.indirect_vreg.gather [hbm4b:s1+s3], $0x80, v3, vm0, $0xb8;
	[tilespmem:$0x8080] =	vst v63  }
0x32: {  	v3 =	vld [tilespmem:$0x30];
	_ =	sdelay $0x4  }
0x33: {  	v59 =	vshll.u32 v3, $0x1  }
0x34: {  	v3 =	vand.u32 $0x7, v3;
	v4 =	vand.u32 $0xFFFFFFF0, v59  }
0x35: {  	v3 =	vor.u32 v3, v4  }
0x36: {  	v4 =	vperm.xlane v3, v0;
	_ =	sdelay $0x1  }
0x37: {  	v3 =	vperm.xlane v3, v2;
	v4 =	vadd.s32 v1, v4;
	_ =	sdelay $0x1  }
0x38: {  	v3 =	vadd.s32 v1, v3;
	_ =	sdelay $0x2  }
0x39: {  	[tilespmem:s14], [sflag:$0x1] =	stream.indirect_vreg.gather [hbm4b:s1+s3], $0x80, v4, vm0, $0xb8;
	[tilespmem:$0x8080] =	vst v63  }
0x3a: {  	_ = 	snop  }
0x3b: {  	[tilespmem:s15], [sflag:$0x1] =	stream.indirect_vreg.gather [hbm4b:s1+s3], $0x80, v3, vm0, $0xb8;
	[tilespmem:$0x8080] =	vst v63  }
0x3c: {  	v3 =	vld [tilespmem:$0x40];
	_ =	sdelay $0x4  }
0x3d: {  	v60 =	vshll.u32 v3, $0x1  }
0x3e: {  	v3 =	vand.u32 $0x7, v3;
	v4 =	vand.u32 $0xFFFFFFF0, v60  }
0x3f: {  	v3 =	vor.u32 v3, v4  }
0x40: {  	v4 =	vperm.xlane v3, v0;
	_ =	sdelay $0x1  }
0x41: {  	v3 =	vperm.xlane v3, v2;
	v4 =	vadd.s32 v1, v4;
	_ =	sdelay $0x1  }
0x42: {  	v3 =	vadd.s32 v1, v3;
	_ =	sdelay $0x2  }
0x43: {  	[tilespmem:s16], [sflag:$0x1] =	stream.indirect_vreg.gather [hbm4b:s1+s3], $0x80, v4, vm0, $0xb8;
	[tilespmem:$0x8080] =	vst v63  }
0x44: {  	_ = 	snop  }
0x45: {  	[tilespmem:s17], [sflag:$0x1] =	stream.indirect_vreg.gather [hbm4b:s1+s3], $0x80, v3, vm0, $0xb8;
	[tilespmem:$0x8080] =	vst v63  }
0x46: {  	v3 =	vld [tilespmem:$0x50];
	_ =	sdelay $0x4  }
0x47: {  	v61 =	vshll.u32 v3, $0x1  }
0x48: {  	v3 =	vand.u32 $0x7, v3;
	v4 =	vand.u32 $0xFFFFFFF0, v61  }
0x49: {  	v3 =	vor.u32 v3, v4  }
0x4a: {  	v4 =	vperm.xlane v3, v0;
	_ =	sdelay $0x1  }
0x4b: {  	v3 =	vperm.xlane v3, v2;
	v4 =	vadd.s32 v1, v4;
	_ =	sdelay $0x1  }
0x4c: {  	v3 =	vadd.s32 v1, v3;
	_ =	sdelay $0x2  }
0x4d: {  	[tilespmem:s18], [sflag:$0x1] =	stream.indirect_vreg.gather [hbm4b:s1+s3], $0x80, v4, vm0, $0xb8;
	[tilespmem:$0x8080] =	vst v63  }
0x4e: {  	_ = 	snop  }
0x4f: {  	[tilespmem:s19], [sflag:$0x1] =	stream.indirect_vreg.gather [hbm4b:s1+s3], $0x80, v3, vm0, $0xb8;
	[tilespmem:$0x8080] =	vst v63  }
0x50: {  	v3 =	vld [tilespmem:$0x60];
	_ =	sdelay $0x4  }
0x51: {  	v62 =	vshll.u32 v3, $0x1  }
0x52: {  	v3 =	vand.u32 $0x7, v3;
	v4 =	vand.u32 $0xFFFFFFF0, v62  }
0x53: {  	v3 =	vor.u32 v3, v4  }
0x54: {  	v4 =	vperm.xlane v3, v0;
	_ =	sdelay $0x1  }
0x55: {  	v3 =	vperm.xlane v3, v2;
	v4 =	vadd.s32 v1, v4;
	_ =	sdelay $0x1  }
0x56: {  	v3 =	vadd.s32 v1, v3;
	_ =	sdelay $0x2  }
0x57: {  	[tilespmem:s20], [sflag:$0x1] =	stream.indirect_vreg.gather [hbm4b:s1+s3], $0x80, v4, vm0, $0xb8;
	[tilespmem:$0x8080] =	vst v63  }
0x58: {  	_ = 	snop  }
0x59: {  	[tilespmem:s21], [sflag:$0x1] =	stream.indirect_vreg.gather [hbm4b:s1+s3], $0x80, v3, vm0, $0xb8;
	[tilespmem:$0x8080] =	vst v63  }
0x5a: {  	v3 =	vld [tilespmem:$0x70];
	_ =	sdelay $0x4  }
0x5b: {  	v63 =	vshll.u32 v3, $0x1  }
0x5c: {  	v3 =	vand.u32 $0x7, v3;
	v4 =	vand.u32 $0xFFFFFFF0, v63  }
0x5d: {  	v3 =	vor.u32 v3, v4  }
0x5e: {  	v4 =	vperm.xlane v3, v0;
	_ =	sdelay $0x1  }
0x5f: {  	v3 =	vperm.xlane v3, v2;
	v4 =	vadd.s32 v1, v4;
	_ =	sdelay $0x1  }
0x60: {  	v3 =	vadd.s32 v1, v3;
	_ =	sdelay $0x2  }
0x61: {  	[tilespmem:s22], [sflag:$0x1] =	stream.indirect_vreg.gather [hbm4b:s1+s3], $0x80, v4, vm0, $0xb8;
	[tilespmem:$0x8080] =	vst v63  }
0x62: {  	_ = 	snop  }
0x63: {  	[tilespmem:s23], [sflag:$0x1] =	stream.indirect_vreg.gather [hbm4b:s1+s3], $0x80, v3, vm0, $0xb8;
	[tilespmem:$0x8080] =	vst v63  }
0x64: {  	_ =	swait.ge [sflag:s24], $0x8000  }
0x65: {  	p0 =	sne.s32 s6, $0x1;
	[sflag:s24] =	ssyncset.done $0x0  }
.Ltmp0:
0x66: {  	[sflag:s24] =	ssyncadd.s32 $0xFFFF8000;
	(pc) =	sbr.rel @p0 .LBB2_1-.Ltmp0, $4  }
0x67: {  	[hbm4b:s5+s3] =	stream.linear.scatter [tilespmem:s8], [sflag:$0x2], $0x8000, $0x38;
	[tilespmem:$0x8080] =	vst v63  }
0x68: {  	_ =	swait.ge [sflag:s7], $0x8000  }
0x69: {  	[sflag:s7] =	ssyncset.done $0x0  }
0x6a: {  	s6 =	sadd.s32 $0xFFFFFFFF, s6;
	[sflag:s7] =	ssyncadd.s32 $0xFFFF8000  }
0x6b: {  	_ =	sfence.sel $0x180000  }
0x6c: {  	[bflag:$0x0] =	sbarrier.arrive $0xFFFF  }
0x6d: {  	p0 =	sne.s32 s2, $0x0;
	_ =	strace $0x9000004D  }
0x6e: {  	s0 =	sadd.s32 @!p0 $0x100000, s0;
	[bflag:$0x2] =	sbarrier.arrive $0xFFFF  }
0x6f: {  	[sflag:s0] =	ssyncadd.tile.s32 @!p0 $0x1;
	_ =	shalt  }
.Lfunc_end2:
_tile_overlayer_lowered:
.L_overlay_start_2:
0x70: {  	(tag) =	ssettag $0x2  }
0x71: {  	s0 =	rddreg [dreg:$0x0];
	s2 =	stileid.u32  }
0x72: {  	s1 =	rddreg [dreg:$0x1];
	p0 =	sne.s32 s2, $0x0  }
0x73: {  	s3 =	rddreg [dreg:$0x2];
	[bflag:$0x3] =	sbarrier.arrive $0xFFFF;
	s2 =	simm.s32 @!p0 $0x1C02  }
0x74: {  	[timem:s3], [sflag:s2] =	dma.local @!p0 [hbm:s0], s1  }
0x75: {  	s0 =	simm.s32 @!p0 $0x2  }
0x76: {  	_ =	swait.ge @!p0 [sflag:s0], s1  }
0x77: {  	s1 =	ssub.s32 @!p0 $0x0, s1;
	[sflag:s0] =	ssyncset.done @!p0 $0x0  }
0x78: {  	[sflag:s0] =	ssyncadd.s32 @!p0 s1  }
0x79: {  	[bflag:$0x3] =	sbarrier.arrive $0xFFFF  }
0x7a: {  	_ =	shalt  }

// kernel: kernel.8.cloned.1.call-start
scs
__scs_entry_jumppad:
0x0: {  	(pc) =	sbr.rel $0x88, $3  }
0x1: {  	(tag) =	ssettag $0x0;
	lr =	simm.s32 $0x1  }
0x2: {  	[smem:$0x3F9F] =	sst lr;
	_ =	strace $0xD0000000  }
0x3: {  	_ = 	snop  }
0x4: {  	_ = 	snop  }
0x5: {  	_ = 	snop  }
0x6: {  	_ = 	snop  }
0x7: {  	_ = 	snop  }
__scs_overlays_trampoline_lowered:
0x8: {  	[smem:$0x3FAE] =	sst s0  }
0x9: {  	[smem:$0x3FAF] =	sst s1  }
0xa: {  	[smem:$0x3FB0] =	sst s2  }
0xb: {  	[smem:$0x3FB1] =	sst s3  }
0xc: {  	[smem:$0x3FB2] =	sst s4  }
0xd: {  	[smem:$0x3FB3] =	sst s5  }
0xe: {  	[smem:$0x3FB4] =	sst s6  }
0xf: {  	[smem:$0x3FB5] =	sst s7  }
0x10: {  	[smem:$0x3FB6] =	sst s8  }
0x11: {  	[smem:$0x3FB7] =	sst s9;
	s0 =	simm.s32 @!p0 $0x0  }
0x12: {  	s1 =	sld [smem:$0x3F9D];
	s0 =	simm.s32 @p0 $0x1  }
0x13: {  	[smem:$0x3FB8] =	sst s0;
	s0 =	simm.s32 @!p1 $0x0  }
0x14: {  	s2 =	sld [smem:$0x3F9C];
	s0 =	simm.s32 @p1 $0x1  }
0x15: {  	[smem:$0x3FB9] =	sst s0;
	s0 =	simm.s32 @!p2 $0x0  }
0x16: {  	s3 =	sld [smem:$0x3FDB];
	s0 =	simm.s32 @p2 $0x1  }
0x17: {  	s4 =	simm.s32 $0x1BF5;
	[smem:$0x3FBB] =	sst s0  }
0x18: {  	s0 =	sld [smem:$0x3F9E];
	_ =	swait.ge [sflag:s4], $0x0  }
0x19: {  	s7 =	sld [smem:$0x3F9F]  }
0x1a: {  	s8 =	sadd.s32 $0xFFFFE003, lr  }
0x1b: {  	s9 =	sadd.s32 $0xFFFFFEF7, lr;
	s5 =	simm.s32 $0xFFFFFFFF;
	p2 =	slt.u32 s8, $0xFFFFF086  }
0x1c: {  	p1 =	slt.u32 s9, $0xF7A;
	s5 =	simm.s32 @!p2 $0x0  }
0x1d: {  	s5 =	simm.s32 @p1 $0x1;
	p0 =	seq.s32 s7, s2  }
0x1e: {  	s7 =	smul.u32 @!p0 $0xF7A, s2;
	p2 =	seq.s32 @!p0 s5, $0x0  }
0x1f: {  	s9 =	smul.u32 $0xF7A, s1;
	s8 =	simm.s32 @!p0 $0x1BF5;
	p2 =	por !p2, p0  }
0x20: {  	[sflag:s8] =	ssyncset.s32 @!p0 $0xFFFFF086;
	s6 =	sadd.s32 @!p0 s3, s7;
	s7 =	simm.s32 @!p0 $0x108  }
0x21: {  	s3 =	sadd.s32 s3, s9;
	s6 =	sadd.s32 @!p0 $0x88, s6;
	s7 =	simm.s32 @p2 $0x1082  }
0x22: {  	[simem:s7], [sflag:s8] =	dma.local @!p0 [hbm:s6], $0xF7A  }
0x23: {  	s9 =	sor.u32 $0xD0000000, s2;
	s6 =	simm.s32 $0x108;
	_ =	swait.ge @!p0 [sflag:s8], $0x0  }
0x24: {  	s3 =	sadd.s32 $0x88, s3;
	s6 =	simm.s32 @!p1 $0x1082;
	[sflag:s4] =	ssyncset.s32 $0xFFFFF086  }
0x25: {  	[simem:s6], [sflag:s4] =	dma.local [hbm:s3], $0xF7A  }
0x26: {  	[smem:$0x3F9F] =	sst s1;
	(tag) =	ssettag s2;
	_ =	strace s9  }
0x27: {  	s1 =	sld [smem:$0x3FAF]  }
0x28: {  	s2 =	sld [smem:$0x3FB0]  }
0x29: {  	s4 =	sld [smem:$0x3FB2]  }
0x2a: {  	p0 =	seq.s32 s5, $0x0;
	s5 =	sld [smem:$0x3FB3]  }
0x2b: {  	s6 =	sld [smem:$0x3FB4]  }
0x2c: {  	s7 =	sld [smem:$0x3FB5]  }
0x2d: {  	s3 =	simm.s32 $0x108;
	s8 =	sld [smem:$0x3FB6]  }
0x2e: {  	s3 =	simm.s32 @!p0 $0x1082;
	s9 =	sld [smem:$0x3FB7]  }
0x2f: {  	lr =	sadd.s32 s0, s3;
	s0 =	sld [smem:$0x3FAE]  }
0x30: {  	s3 =	sld [smem:$0x3FB1]  }
0x31: {  	[smem:$0x3FBA] =	sst s10  }
0x32: {  	s10 =	sld [smem:$0x3FB8];
	_ =	sdelay $0x3  }
0x33: {  	p0 =	seq.s32 s10, $0x1;
	s10 =	sld [smem:$0x3FBA];
	_ =	sdelay $0x3  }
0x34: {  	[smem:$0x3FBA] =	sst s10  }
0x35: {  	s10 =	sld [smem:$0x3FB9];
	_ =	sdelay $0x3  }
0x36: {  	p1 =	seq.s32 s10, $0x1;
	s10 =	sld [smem:$0x3FBA];
	_ =	sdelay $0x3  }
0x37: {  	[smem:$0x3FBA] =	sst s10  }
0x38: {  	s10 =	sld [smem:$0x3FBB]  }
0x39: {  	_ = 	snop;
	(pc) =	sbr.ind lr, $3  }
0x3a: {  	_ = 	snop  }
0x3b: {  	_ = 	snop  }
0x3c: {  	p2 =	seq.s32 s10, $0x1;
	s10 =	sld [smem:$0x3FBA]  }
0x3d: {  	_ =	shalt  }
0x3e: {  	_ =	shalt  }
0x3f: {  	_ =	shalt  }
0x40: {  	_ =	shalt  }
0x41: {  	_ =	shalt  }
0x42: {  	_ =	shalt  }
0x43: {  	_ =	shalt  }
0x44: {  	_ =	shalt  }
0x45: {  	_ =	shalt  }
0x46: {  	_ =	shalt  }
0x47: {  	_ =	shalt  }
0x48: {  	_ =	shalt  }
0x49: {  	_ =	shalt  }
0x4a: {  	_ =	shalt  }
0x4b: {  	_ =	shalt  }
0x4c: {  	_ =	shalt  }
0x4d: {  	_ =	shalt  }
0x4e: {  	_ =	shalt  }
0x4f: {  	_ =	shalt  }
0x50: {  	_ =	shalt  }
0x51: {  	_ =	shalt  }
0x52: {  	_ =	shalt  }
0x53: {  	_ =	shalt  }
0x54: {  	_ =	shalt  }
0x55: {  	_ =	shalt  }
0x56: {  	_ =	shalt  }
0x57: {  	_ =	shalt  }
0x58: {  	_ =	shalt  }
0x59: {  	_ =	shalt  }
0x5a: {  	_ =	shalt  }
0x5b: {  	_ =	shalt  }
0x5c: {  	_ =	shalt  }
0x5d: {  	_ =	shalt  }
0x5e: {  	_ =	shalt  }
0x5f: {  	_ =	shalt  }
0x60: {  	_ =	shalt  }
0x61: {  	_ =	shalt  }
0x62: {  	_ =	shalt  }
0x63: {  	_ =	shalt  }
0x64: {  	_ =	shalt  }
0x65: {  	_ =	shalt  }
0x66: {  	_ =	shalt  }
0x67: {  	_ =	shalt  }
0x68: {  	_ =	shalt  }
0x69: {  	_ =	shalt  }
0x6a: {  	_ =	shalt  }
0x6b: {  	_ =	shalt  }
0x6c: {  	_ =	shalt  }
0x6d: {  	_ =	shalt  }
0x6e: {  	_ =	shalt  }
0x6f: {  	_ =	shalt  }
0x70: {  	_ =	shalt  }
0x71: {  	_ =	shalt  }
0x72: {  	_ =	shalt  }
0x73: {  	_ =	shalt  }
0x74: {  	_ =	shalt  }
0x75: {  	_ =	shalt  }
0x76: {  	_ =	shalt  }
0x77: {  	_ =	shalt  }
0x78: {  	_ =	shalt  }
0x79: {  	_ =	shalt  }
0x7a: {  	_ =	shalt  }
0x7b: {  	_ =	shalt  }
0x7c: {  	_ =	shalt  }
0x7d: {  	_ =	shalt  }
0x7e: {  	_ =	shalt  }
0x7f: {  	_ =	shalt  }
0x80: {  	_ =	shalt  }
0x81: {  	_ =	shalt  }
0x82: {  	_ =	shalt  }
0x83: {  	_ =	shalt  }
0x84: {  	_ =	shalt  }
0x85: {  	_ =	shalt  }
0x86: {  	_ =	shalt  }
0x87: {  	_ =	shalt  }
.Lfunc_end0:
.L_simem_size_0:
called_computation_lowered:
.L_overlay_start_0:
0x88: {  	s2 =	sld [smem:$0x3FD9]  }
0x89: {  	s3 =	sld [smem:$0x3FFE];
	_ =	sdelay $0x1  }
0x8a: {  	s1 =	srdreg.scid  }
0x8b: {  	s0 =	sand.u32 $0x1, s1  }
0x8c: {  	s17 =	sshll.u32 s0, $0xA;
	s2 =	sadd.s32 s3, s2  }
0x8d: {  	s2 =	sadd.s32 s2, s17  }
0x8e: {  	[smem:$0x3FC6] =	sst s2  }
0x8f: {  	_ = 	snop  }
0x90: {  	(tm) =	ssettm $0x1  }
0x91: {  	s18 =	sld [smem:$0x3FFB];
	_ =	sdelay $0x3  }
0x92: {  	_ =	strace s18  }
0x93: {  	s2 =	sld [smem:$0x3FFC];
	_ =	sdelay $0x3  }
0x94: {  	_ =	strace s2  }
0x95: {  	s2 =	sld [smem:$0x3FFD];
	_ =	sdelay $0x3  }
0x96: {  	_ =	strace s2  }
0x97: {  	_ =	strace $0x8FFFFFFF  }
0x98: {  	s19 =	sld [smem:$0x3FDB];
	_ =	sdelay $0x1  }
0x99: {  	s20 =	simm.s32 $_scs_section_size  }
0x9a: {  	s4 =	simm.s32 $_size__tile_overlayer_lowered;
	s5 =	simm.s32 $_tile_overlayer_lowered  }
0x9b: {  	s6 =	simm.s32 $0x1BFF;
	s21 =	sshll.u32 s5, $0x1;
	s3 =	sadd.s32 s20, s19  }
0x9c: {  	s22 =	simm.s32 $0x0;
	s4 =	sshll.u32 s4, $0x1;
	s5 =	sadd.s32 s21, s3  }
0x9d: {  	[timem:s22], [sflag:s6] =	dma.local [hbm:s5], s4  }
0x9e: {  	_ =	swait.ge [sflag:s6], s4  }
0x9f: {  	s4 =	ssub.s32 $0x0, s4;
	[sflag:s6] =	ssyncset.done $0x0  }
0xa0: {  	[sflag:s6] =	ssyncadd.s32 s4;
	_ =	sdelay $0x1  }
0xa1: {  	s23 =	simm.s32 $0x1B8B  }
0xa2: {  	_ =	swait.ge [sflag:s23], $0x1  }
0xa3: {  	[sflag:s23] =	ssyncset.done $0x0  }
0xa4: {  	[sflag:s23] =	ssyncadd.s32 $0xFFFFFFFF  }
0xa5: {  	s4 =	sld [smem:$0x0]  }
0xa6: {  	s5 =	sand.u32 $0xFFFFFFFE, s1  }
0xa7: {  	p0 =	sne.s32 s1, s5  }
0xa8: {  	s5 =	sshll.u32 @p0 s5, $0xE  }
0xa9: {  	s5 =	sadd.s32 @p0 $0x11B8D, s5;
	s6 =	sshll.u32 @p0 s4, $0x11  }
0xaa: {  	s5 =	sor.u32 @p0 s6, s5  }
0xab: {  	[sflag:s5] =	ssyncadd.remote.s32 @p0 $0x1;
	_ =	sdelay $0x1  }
0xac: {  	s5 =	simm.s32 @p0 $0x1B8D  }
0xad: {  	_ =	swait.eq @p0 [sflag:s5], $0x1  }
0xae: {  	[sflag:s5] =	ssyncadd.s32 @p0 $0xFFFFFFFF  }
0xaf: {  	s6 =	sshll.u32 @!p0 s1, $0xE  }
0xb0: {  	s6 =	sor.u32 @!p0 $0x4000, s6;
	s5 =	simm.s32 @!p0 $0x1B8D  }
0xb1: {  	s4 =	sshll.u32 @!p0 s4, $0x11;
	s6 =	sadd.s32 @!p0 $0x11B8D, s6;
	_ =	swait.eq @!p0 [sflag:s5], $0x1  }
0xb2: {  	s4 =	sor.u32 @!p0 s4, s6;
	[sflag:s5] =	ssyncadd.s32 @!p0 $0xFFFFFFFF  }
0xb3: {  	s25 =	simm.s32 $0x1B8E;
	s24 =	sld [smem:$0x3FFE];
	[sflag:s4] =	ssyncadd.remote.s32 @!p0 $0x1  }
0xb4: {  	s26 =	simm.s32 $execute0_lowered;
	[smem:$0x3FD2] =	sst s25  }
0xb5: {  	s5 =	sshll.u32 s26, $0x1;
	_ =	strace $0x80000049;
	[dreg:$0x1] =	wrdreg $0xFFFFFFFF  }
0xb6: {  	s28 =	simm.s32 $_size_execute0_lowered;
	s3 =	sadd.s32 s3, s5;
	[dreg:$0x0] =	wrdreg $0x0  }
0xb7: {  	s5 =	sshll.u32 s28, $0x1;
	[dreg:$0x2] =	wrdreg s3  }
0xb8: {  	[dreg:$0x3] =	wrdreg s5  }
0xb9: {  	[dreg:$0x4] =	wrdreg $0xC0  }
0xba: {  	_ =	task [dreg:s22], $0x5FFFF  }
0xbb: {  	[dreg:$0x1] =	wrdreg $0xFFFFFFFF  }
0xbc: {  	[dreg:$0x0] =	wrdreg $0x60  }
0xbd: {  	[dreg:$0x2] =	wrdreg s24  }
0xbe: {  	[dreg:$0x3] =	wrdreg $0x1000  }
0xbf: {  	[dreg:$0x4] =	wrdreg $0x9  }
0xc0: {  	_ =	task.clear_ibuf [dreg:s22], $0x5FFFF;
	_ =	strace $0x90000049  }
0xc1: {  	s29 =	simm.s32 $0x9;
	_ =	strace $0x8000004B  }
0xc2: {  	_ =	swait.ge [sflag:s29], $0x1  }
0xc3: {  	[sflag:s29] =	ssyncadd.s32 $0xFFFFFFFF  }
0xc4: {  	_ =	strace $0x9000004B  }
0xc5: {  	_ =	sfence  }
0xc6: {  	s30 =	sld [smem:$0x0];
	_ =	sdelay $0x2  }
0xc7: {  	s31 =	sshll.u32 s1, $0xD;
	s1 =	sshrl.u32 s1, $0x2  }
0xc8: {  	s4 =	sand.u32 $0x4000, s31;
	s1 =	sadd.s32 s1, s30  }
0xc9: {  	s0 =	sor.u32 s4, s0;
	s1 =	sshll.u32 s1, $0x11  }
0xca: {  	s0 =	sor.u32 s1, s0  }
0xcb: {  	s0 =	sadd.s32 $0x8F2B, s0  }
0xcc: {  	[sflag:s0] =	ssyncadd.remote.s32 $0x1  }
0xcd: {  	_ =	sfence.sel $0xFFFF  }
0xce: {  	[dreg:$0x0] =	wrdreg $0xFFFFFFFF;
	(pc) =	sbr.abs _section_cstart, $3  }
0xcf: {  	[dreg:$0x1] =	wrdreg $0xFFFFFFFF  }
0xd0: {  	_ =	task.clear_ibuf [dreg:s22], $0x2FFFF;
	_ =	strace $0x9FFFFFFF  }
0xd1: {  	(tm) =	ssettm $0x7FFFFFFF  }
tec
execute0_lowered:
.L_overlay_start_1:
0x0: {  	(tag) =	ssettag $0x1  }
0x1: {  	s1 =	srdreg.scid  }
0x2: {  	s11 =	rddreg [dreg:$0x0];
	s0 =	stileid.u32;
	s12 =	sand.u32 $0x1, s1  }
0x3: {  	s2 =	rddreg [dreg:$0x1];
	s5 =	sshll.u32 s0, $0x4;
	s4 =	sshll.u32 s12, $0x8  }
0x4: {  	s3 =	simm.s32 $0x0;
	s1 =	rddreg [dreg:$0x2];
	s4 =	sor.u32 s5, s4  }
0x5: {  	[smem:$0x7FF] =	sst s3;
	s6 =	sadd.s32 s4, s11  }
0x6: {  	_ =	strace $0x8000004A;
	s4 =	simm.s32 $0x1;
	s5 =	sadd.s32 $0x21800, s6  }
0x7: {  	[tilespmem:s3], [sflag:$0x1] =	stream.linear.gather [hbm4b:s5+s3], $0x80, $0x38;
	[tilespmem:$0x300] =	vst v63  }
0x8: {  	_ =	swait.ge [sflag:s4], $0x80  }
0x9: {  	s7 =	simm.s32 $0x80;
	[sflag:s4] =	ssyncset.done $0x0  }
0xa: {  	s9 =	sshll.u32 s0, $0x6;
	s6 =	sadd.s32 $0x41C00, s6;
	[sflag:s4] =	ssyncadd.s32 $0xFFFFFF80  }
0xb: {  	[tilespmem:s7], [sflag:$0x1] =	stream.linear.gather [hbm4b:s6+s3], $0x80, $0x38;
	[tilespmem:$0x300] =	vst v63  }
0xc: {  	s13 =	sshll.u32 s0, $0x9;
	s8 =	sadd.s32 s9, s11;
	_ =	swait.ge [sflag:s4], $0x80  }
0xd: {  	s10 =	sadd.s32 s13, s2;
	s9 =	sor.u32 $0x1C01, s9;
	[sflag:s4] =	ssyncset.done $0x0  }
0xe: {  	s8 =	sadd.s32 $0x41E00, s8;
	s10 =	sshrl.u32 s10, $0x3;
	[sflag:s4] =	ssyncadd.s32 $0xFFFFFF80  }
0xf: {  	[spmem:s10], [sflag:s9] =	dma.local [hbm:s8], $0x40  }
0x10: {  	_ =	swait.ge [sflag:s4], $0x40  }
0x11: {  	s14 =	sshll.u32 s12, $0xD;
	s12 =	ssub.s32 $0x2, s12;
	[sflag:s4] =	ssyncset.done $0x0  }
0x12: {  	s31 =	sshrl.u32 s12, $0x1;
	[sflag:s4] =	ssyncadd.s32 $0xFFFFFFC0  }
0x13: {  	s12 =	ssub.s32 s12, s31;
	[bflag:$0x0] =	sbarrier.arrive $0xFFFF  }
0x14: {  	[spmem:s2] =	stream.indirect.scatter.add.f32 [tilespmem:s7], [sflag:$0x1], $0x1, s3, s7, $0xb8;
	[tilespmem:$0x300] =	vst v63  }
0x15: {  	s13 =	sor.u32 s13, s14;
	s12 =	smax.u32 s12, $0x1;
	_ =	swait.ge [sflag:s4], $0x80  }
0x16: {  	s13 =	sshrl.u32 s13, $0x3;
	p0 =	sne.s32 s12, $0x1;
	[sflag:s4] =	ssyncset.done $0x0  }
.Ltmp0:
0x17: {  	s11 =	sadd.s32 s13, s11;
	[sflag:s4] =	ssyncadd.s32 $0xFFFFFF80;
	(pc) =	sbr.rel @!p0 .LBB2_2-.Ltmp0, $4  }
0x18: {  	s11 =	sadd.s32 $0x42200, s11;
	[bflag:$0x0] =	sbarrier.arrive $0xFFFF  }
0x19: {  	[hbm:s11], [sflag:s9] =	dma.local [spmem:s10], $0x40  }
0x1a: {  	_ =	swait.ge [sflag:s4], $0x40  }
0x1b: {  	s12 =	sadd.s32 $0xFFFFFFFF, s12;
	[sflag:s4] =	ssyncset.done $0x0  }
.LBB2_1:
0x1c: {  	p0 =	sne.s32 s12, $0x1;
	s12 =	sadd.s32 $0xFFFFFFFF, s12;
	[sflag:s4] =	ssyncadd.s32 $0xFFFFFFC0  }
0x1d: {  	[tilespmem:s3], [sflag:$0x1] =	stream.linear.gather [hbm4b:s5+s3], $0x80, $0x38;
	[tilespmem:$0x300] =	vst v63  }
0x1e: {  	_ =	swait.ge [sflag:s4], $0x80  }
0x1f: {  	[sflag:s4] =	ssyncset.done $0x0  }
0x20: {  	[sflag:s4] =	ssyncadd.s32 $0xFFFFFF80  }
0x21: {  	[tilespmem:s7], [sflag:$0x1] =	stream.linear.gather [hbm4b:s6+s3], $0x80, $0x38;
	[tilespmem:$0x300] =	vst v63  }
0x22: {  	_ =	swait.ge [sflag:s4], $0x80  }
0x23: {  	[sflag:s4] =	ssyncset.done $0x0  }
0x24: {  	[sflag:s4] =	ssyncadd.s32 $0xFFFFFF80  }
0x25: {  	[spmem:s10], [sflag:s9] =	dma.local [hbm:s8], $0x40  }
0x26: {  	_ =	swait.ge [sflag:s4], $0x40  }
0x27: {  	[sflag:s4] =	ssyncset.done $0x0  }
0x28: {  	[sflag:s4] =	ssyncadd.s32 $0xFFFFFFC0  }
0x29: {  	[bflag:$0x0] =	sbarrier.arrive $0xFFFF  }
0x2a: {  	[spmem:s2] =	stream.indirect.scatter.add.f32 [tilespmem:s7], [sflag:$0x1], $0x1, s3, s7, $0xb8;
	[tilespmem:$0x300] =	vst v63  }
0x2b: {  	_ =	swait.ge [sflag:s4], $0x80  }
0x2c: {  	[sflag:s4] =	ssyncset.done $0x0  }
.Ltmp1:
0x2d: {  	[sflag:s4] =	ssyncadd.s32 $0xFFFFFF80;
	(pc) =	sbr.rel @p0 .LBB2_1-.Ltmp1, $4  }
0x2e: {  	[bflag:$0x0] =	sbarrier.arrive $0xFFFF  }
0x2f: {  	[hbm:s11], [sflag:s9] =	dma.local [spmem:s10], $0x40  }
0x30: {  	_ =	swait.ge [sflag:s4], $0x40  }
0x31: {  	[sflag:s4] =	ssyncset.done $0x0  }
.LBB2_2:
0x32: {  	[sflag:s4] =	ssyncadd.s32 $0xFFFFFFC0  }
0x33: {  	_ =	sfence.sel $0x180000  }
0x34: {  	[bflag:$0x0] =	sbarrier.arrive $0xFFFF  }
0x35: {  	p0 =	sne.s32 s0, $0x0;
	_ =	strace $0x9000004A  }
0x36: {  	s0 =	sadd.s32 @!p0 $0x100000, s1;
	[bflag:$0x2] =	sbarrier.arrive $0xFFFF  }
0x37: {  	[sflag:s0] =	ssyncadd.tile.s32 @!p0 $0x1;
	_ =	shalt  }
.Lfunc_end2:
_tile_overlayer_lowered:
.L_overlay_start_2:
0x38: {  	(tag) =	ssettag $0x2  }
0x39: {  	s0 =	rddreg [dreg:$0x0];
	s2 =	stileid.u32  }
0x3a: {  	s1 =	rddreg [dreg:$0x1];
	p0 =	sne.s32 s2, $0x0  }
0x3b: {  	s3 =	rddreg [dreg:$0x2];
	[bflag:$0x3] =	sbarrier.arrive $0xFFFF;
	s2 =	simm.s32 @!p0 $0x1C01  }
0x3c: {  	[timem:s3], [sflag:s2] =	dma.local @!p0 [hbm:s0], s1  }
0x3d: {  	s0 =	simm.s32 @!p0 $0x1  }
0x3e: {  	_ =	swait.ge @!p0 [sflag:s0], s1  }
0x3f: {  	s1 =	ssub.s32 @!p0 $0x0, s1;
	[sflag:s0] =	ssyncset.done @!p0 $0x0  }
0x40: {  	[sflag:s0] =	ssyncadd.s32 @!p0 s1  }
0x41: {  	[bflag:$0x3] =	sbarrier.arrive $0xFFFF  }
0x42: {  	_ =	shalt  }

</sc_bundles>
